<compile_context>
chip_gen: v7x
topology: tpu7x:2x2x1
jax: 0.10.2.dev20260603
libtpu: 0.0.44.dev20260713+nightly
codegen_flags: <defaults>
</compile_context>

<pallas_src>
import functools

import jax
import jax.numpy as jnp
from jax import lax
from jax.experimental import pallas as pl
from jax.experimental.pallas import tpu as pltpu
from jax.experimental.pallas import tpu_sc as plsc

_N = 8 * 512 * 512
_NW = 32
_SPAN = _N // _NW
_CHUNK = 8192
_NCHUNK = _SPAN // _CHUNK
_GROUPS = _CHUNK // 16
_UNROLL = 8

_mesh = plsc.VectorSubcoreMesh(core_axis_name="c", subcore_axis_name="s",
                               num_cores=2)


def _wid():
    return lax.axis_index("s") * 2 + lax.axis_index("c")


@functools.partial(
    pl.kernel, mesh=_mesh,
    out_type=jax.ShapeDtypeStruct((_NW * 80,), jnp.float32),
    scratch_types=[
        pltpu.VMEM((_CHUNK,), jnp.float32),
        pltpu.VMEM((_CHUNK,), jnp.float32),
        pltpu.VMEM((80,), jnp.float32),
    ],
)
def _sc_pass1(x_hbm, y_hbm, out_hbm, xv, yv, accv):
    base = _wid() * _SPAN
    z = jnp.zeros((16,), jnp.float32)

    def chunk_body(ci, accs):
        pltpu.sync_copy(x_hbm.at[pl.ds(base + ci * _CHUNK, _CHUNK)], xv)
        pltpu.sync_copy(y_hbm.at[pl.ds(base + ci * _CHUNK, _CHUNK)], yv)

        def grp_body(g, accs):
            s0, s1, s2, s3, s4 = accs
            for u in range(_UNROLL):
                off = (g * _UNROLL + u) * 16
                xs = xv[pl.ds(off, 16)]
                ys = yv[pl.ds(off, 16)]
                disp = 1.0 / jnp.maximum(xs, 1e-6)
                mask = (xs > 0.1) & (xs < 100.0)
                zero = jnp.zeros_like(xs)
                a = jnp.where(mask, disp, zero)
                b = jnp.where(mask, ys, zero)
                mf = jnp.where(mask, 1.0, zero)
                s0 = s0 + mf
                s1 = s1 + a
                s2 = s2 + b
                s3 = s3 + a * b
                s4 = s4 + b * b
            return (s0, s1, s2, s3, s4)

        return lax.fori_loop(0, _GROUPS // _UNROLL, grp_body, accs)

    accs = lax.fori_loop(0, _NCHUNK, chunk_body, (z, z, z, z, z))
    for j in range(5):
        accv[pl.ds(j * 16, 16)] = accs[j]
    pltpu.sync_copy(accv, out_hbm.at[pl.ds(_wid() * 80, 80)])


@functools.partial(
    pl.kernel, mesh=_mesh,
    out_type=jax.ShapeDtypeStruct((_NW * 16,), jnp.float32),
    scratch_types=[
        pltpu.VMEM((_CHUNK,), jnp.float32),
        pltpu.VMEM((_CHUNK,), jnp.float32),
        pltpu.VMEM((_NW * 80,), jnp.float32),
        pltpu.VMEM((16,), jnp.float32),
    ],
)
def _sc_pass2(x_hbm, y_hbm, p_hbm, out_hbm, xv, yv, pv, lv):
    base = _wid() * _SPAN
    pltpu.sync_copy(p_hbm, pv)
    z = jnp.zeros((16,), jnp.float32)

    def comb_body(w, accs):
        s0, s1, s2, s3, s4 = accs
        s0 = s0 + pv[pl.ds(w * 80, 16)]
        s1 = s1 + pv[pl.ds(w * 80 + 16, 16)]
        s2 = s2 + pv[pl.ds(w * 80 + 32, 16)]
        s3 = s3 + pv[pl.ds(w * 80 + 48, 16)]
        s4 = s4 + pv[pl.ds(w * 80 + 64, 16)]
        return (s0, s1, s2, s3, s4)

    sums = lax.fori_loop(0, _NW, comb_body, (z, z, z, z, z))
    totals = []
    for j in range(5):
        tot = sums[j][0]
        for k in range(1, 16):
            tot = tot + sums[j][k]
        totals.append(jnp.full((16,), tot, jnp.float32))
    cnt = jnp.maximum(totals[0], 1.0)
    mean_r = totals[1] / cnt
    mean_p = totals[2] / cnt
    mean_rp = totals[3] / cnt
    mean_pp = totals[4] / cnt
    covar = mean_rp - mean_r * mean_p
    var_p = mean_pp - mean_p * mean_p
    s = jnp.maximum(covar / (var_p + 1e-8), 1e-4)
    t = mean_r - s * mean_p

    def chunk_body(ci, lacc):
        pltpu.sync_copy(x_hbm.at[pl.ds(base + ci * _CHUNK, _CHUNK)], xv)
        pltpu.sync_copy(y_hbm.at[pl.ds(base + ci * _CHUNK, _CHUNK)], yv)

        def grp_body(g, lacc):
            for u in range(_UNROLL):
                off = (g * _UNROLL + u) * 16
                xs = xv[pl.ds(off, 16)]
                ys = yv[pl.ds(off, 16)]
                disp = 1.0 / jnp.maximum(xs, 1e-6)
                mask = (xs > 0.1) & (xs < 100.0)
                zero = jnp.zeros_like(xs)
                a = jnp.where(mask, disp, zero)
                b = jnp.where(mask, ys, zero)
                tm = jnp.where(mask, t, 0.0)
                lacc = lacc + jnp.abs(a - s * b - tm)
            return lacc

        return lax.fori_loop(0, _GROUPS // _UNROLL, grp_body, lacc)

    lacc = lax.fori_loop(0, _NCHUNK, chunk_body, z)
    lv[...] = lacc / cnt
    pltpu.sync_copy(lv, out_hbm.at[pl.ds(_wid() * 16, 16)])


def kernel(render_depth, prior_disp):
    x = render_depth.reshape(_N)
    y = prior_disp.reshape(_N)
    partials = _sc_pass1(x, y)
    per_worker = _sc_pass2(x, y, partials)
    return jnp.sum(per_worker)

# --- scband reference (transcript-rebuilt; emitter-appended) ---
"""Pipeline reference for scband-fast-affine-invariant-depth-loss-76321568850582 (READ-ONLY COPY).

The authoritative reference and input builder live on the scoring server;
editing this copy changes nothing except your own understanding.
"""

import jax, jax.numpy as jnp
import numpy as np


def setup_inputs(seed: int = 0) -> dict:
    key = jax.random.key(seed)
    k1, k2 = jax.random.split(key)
    render_depth = jax.random.uniform(k1, (8, 1, 512, 512), dtype=jnp.float32)
    prior_disp = jax.random.uniform(k2, (8, 1, 512, 512), dtype=jnp.float32)
    return {"render_depth": render_depth, "prior_disp": prior_disp}


def reference(render_depth, prior_disp):
    lambda_l1 = 1.0
    d_ren = render_depth  # [B,1,H,W]
    d_pri = prior_disp    # [B,1,H,W]
    # disp_ren = 1.0 / d_ren.clamp_min(1e-6)
    disp_ren = 1.0 / jnp.maximum(d_ren, 1e-6)
    # mask = (d_ren > 0.1) & (d_ren < 100.0) & isfinite(d_ren)
    mask = (d_ren > 0.1) & (d_ren < 100.0) & jnp.isfinite(d_ren)
    maskf = mask.astype(jnp.float32)
    cnt = jnp.maximum(maskf.sum(), 1.0)
    # masked means over valid pixels (equivalent to boolean-extraction means)
    mean_r = (disp_ren * maskf).sum() / cnt
    mean_p = (d_pri * maskf).sum() / cnt
    mean_rp = (disp_ren * d_pri * maskf).sum() / cnt
    mean_pp = (d_pri * d_pri * maskf).sum() / cnt
    covar = mean_rp - mean_r * mean_p
    var_p = mean_pp - mean_p * mean_p
    s = jnp.maximum(covar / (var_p + 1e-8), 1e-4)
    t = mean_r - s * mean_p
    # torch.no_grad() block -> stop_gradient on aligned prior
    aligned = jax.lax.stop_gradient(s * d_pri + t)
    loss = (jnp.abs(disp_ren - aligned) * maskf).sum() / cnt
    return lambda_l1 * loss

if __name__ == "__main__":
    import jax
    _d = setup_inputs()
    print(jax.jit(kernel)(*tuple(_d.values())))

</pallas_src>

<mosaic_0001>
#map = affine_map<(d0, d1) -> (0)>
module attributes {stable_mosaic.version = 14 : i64} {
  func.func @_sc_pass1(%arg0: i32, %arg1: i32, %arg2: memref<2097152xf32, #tpu.memory_space<hbm>>, %arg3: memref<2097152xf32, #tpu.memory_space<hbm>>, %arg4: memref<2560xf32, #tpu.memory_space<hbm>>, %arg5: memref<8192xf32, #tpu.memory_space<vmem>>, %arg6: memref<8192xf32, #tpu.memory_space<vmem>>, %arg7: memref<80xf32, #tpu.memory_space<vmem>>) attributes {dimension_semantics = [#tpu.dimension_semantics<core_parallel>, #tpu.dimension_semantics<subcore_parallel>], iteration_bounds = array<i64: 2, 16>, scalar_prefetch = 0 : i64, scratch_operands = 3 : i64, tpu.core_type = #tpu.core_type<sc_vector_subcore>, window_params = [{transform_indices = #map}, {transform_indices = #map}, {transform_indices = #map}]} {
    %mul3A = arith.constant 2 : i32
    %mul3A_0 = arith.muli %arg1, %mul3A : i32
    %add3A = arith.addi %mul3A_0, %arg0 : i32
    %mul3A_1 = arith.constant 65536 : i32
    %mul3A_2 = arith.muli %add3A, %mul3A_1 : i32
    %broadcast_in_dim3A = arith.constant 0.000000e+00 : f32
    %broadcast_in_dim3A_3 = vector.broadcast %broadcast_in_dim3A : f32 to vector<16xf32>
    %scan3A = arith.constant 0 : i32
    %scan3A_4 = arith.constant 8 : i32
    %scan3A_5 = arith.addi %scan3A, %scan3A_4 : i32
    %scan3A_6 = arith.constant 1 : i32
    %scan3A_7:5 = scf.for %scan3A_33 = %scan3A to %scan3A_5 step %scan3A_6 iter_args(%scan3A_34 = %broadcast_in_dim3A_3, %scan3A_35 = %broadcast_in_dim3A_3, %scan3A_36 = %broadcast_in_dim3A_3, %scan3A_37 = %broadcast_in_dim3A_3, %scan3A_38 = %broadcast_in_dim3A_3) -> (vector<16xf32>, vector<16xf32>, vector<16xf32>, vector<16xf32>, vector<16xf32>)  : i32 {
      %mul3A_39 = arith.constant 8192 : i32
      %mul3A_40 = arith.muli %scan3A_33, %mul3A_39 : i32
      %add3A_41 = arith.addi %mul3A_2, %mul3A_40 : i32
      "tpu.region"() ({
        %run_scoped3A = tpu.sem_alloc : memref<!tpu.dma_semaphore, #tpu.memory_space<semaphore_mem>>
        %dma_start3A = tpu.memref_slice %arg2[%add3A_41] : memref<2097152xf32, #tpu.memory_space<hbm>> -> memref<8192xf32, #tpu.memory_space<hbm>>
        %dma_start3A_51 = tpu.memref_slice %arg2[%add3A_41] : memref<2097152xf32, #tpu.memory_space<hbm>> -> memref<8192xf32, #tpu.memory_space<hbm>>
        tpu.enqueue_dma source(%dma_start3A_51 : memref<8192xf32, #tpu.memory_space<hbm>>) target(%arg5 : memref<8192xf32, #tpu.memory_space<vmem>>) target_semaphore(%run_scoped3A : memref<!tpu.dma_semaphore, #tpu.memory_space<semaphore_mem>>)
        %dma_wait3A = tpu.memref_slice %arg2[%add3A_41] : memref<2097152xf32, #tpu.memory_space<hbm>> -> memref<8192xf32, #tpu.memory_space<hbm>>
        %dma_wait3A_52 = tpu.memref_slice %arg2[%add3A_41] : memref<2097152xf32, #tpu.memory_space<hbm>> -> memref<8192xf32, #tpu.memory_space<hbm>>
        tpu.wait_dma2 semaphore(%run_scoped3A : memref<!tpu.dma_semaphore, #tpu.memory_space<semaphore_mem>>) src(%dma_wait3A_52 : memref<8192xf32, #tpu.memory_space<hbm>>) dst(%arg5 : memref<8192xf32, #tpu.memory_space<vmem>>)
        tpu.yield
      }) : () -> ()
      %mul3A_42 = arith.constant 8192 : i32
      %mul3A_43 = arith.muli %scan3A_33, %mul3A_42 : i32
      %add3A_44 = arith.addi %mul3A_2, %mul3A_43 : i32
      "tpu.region"() ({
        %run_scoped3A = tpu.sem_alloc : memref<!tpu.dma_semaphore, #tpu.memory_space<semaphore_mem>>
        %dma_start3A = tpu.memref_slice %arg3[%add3A_44] : memref<2097152xf32, #tpu.memory_space<hbm>> -> memref<8192xf32, #tpu.memory_space<hbm>>
        %dma_start3A_51 = tpu.memref_slice %arg3[%add3A_44] : memref<2097152xf32, #tpu.memory_space<hbm>> -> memref<8192xf32, #tpu.memory_space<hbm>>
        tpu.enqueue_dma source(%dma_start3A_51 : memref<8192xf32, #tpu.memory_space<hbm>>) target(%arg6 : memref<8192xf32, #tpu.memory_space<vmem>>) target_semaphore(%run_scoped3A : memref<!tpu.dma_semaphore, #tpu.memory_space<semaphore_mem>>)
        %dma_wait3A = tpu.memref_slice %arg3[%add3A_44] : memref<2097152xf32, #tpu.memory_space<hbm>> -> memref<8192xf32, #tpu.memory_space<hbm>>
        %dma_wait3A_52 = tpu.memref_slice %arg3[%add3A_44] : memref<2097152xf32, #tpu.memory_space<hbm>> -> memref<8192xf32, #tpu.memory_space<hbm>>
        tpu.wait_dma2 semaphore(%run_scoped3A : memref<!tpu.dma_semaphore, #tpu.memory_space<semaphore_mem>>) src(%dma_wait3A_52 : memref<8192xf32, #tpu.memory_space<hbm>>) dst(%arg6 : memref<8192xf32, #tpu.memory_space<vmem>>)
        tpu.yield
      }) : () -> ()
      %scan3A_45 = arith.constant 0 : i32
      %scan3A_46 = arith.constant 64 : i32
      %scan3A_47 = arith.addi %scan3A_45, %scan3A_46 : i32
      %scan3A_48 = arith.constant 1 : i32
      %scan3A_49:5 = scf.for %scan3A_51 = %scan3A_45 to %scan3A_47 step %scan3A_48 iter_args(%scan3A_52 = %scan3A_34, %scan3A_53 = %scan3A_35, %scan3A_54 = %scan3A_36, %scan3A_55 = %scan3A_37, %scan3A_56 = %scan3A_38) -> (vector<16xf32>, vector<16xf32>, vector<16xf32>, vector<16xf32>, vector<16xf32>)  : i32 {
        %mul3A_57 = arith.constant 8 : i32
        %mul3A_58 = arith.muli %scan3A_51, %mul3A_57 : i32
        %add3A_59 = arith.constant 0 : i32
        %add3A_60 = arith.addi %mul3A_58, %add3A_59 : i32
        %mul3A_61 = arith.constant 16 : i32
        %mul3A_62 = arith.muli %add3A_60, %mul3A_61 : i32
        %get3A = arith.index_cast %mul3A_62 : i32 to index
        %get3A_63 = tpu.vector_load %arg5[%get3A] {strides = array<i32>} : memref<8192xf32, #tpu.memory_space<vmem>>, vector<16xf32>,
        %get3A_64 = vector.shape_cast %get3A_63 : vector<16xf32> to vector<16xf32>
        %get3A_65 = arith.index_cast %mul3A_62 : i32 to index
        %get3A_66 = tpu.vector_load %arg6[%get3A_65] {strides = array<i32>} : memref<8192xf32, #tpu.memory_space<vmem>>, vector<16xf32>,
        %get3A_67 = vector.shape_cast %get3A_66 : vector<16xf32> to vector<16xf32>
        %max3A = arith.constant 9.99999997E-7 : f32
        %max3A_68 = vector.broadcast %max3A : f32 to vector<16xf32>
        %max3A_69 = arith.maximumf %get3A_64, %max3A_68 : vector<16xf32>
        %div3A = arith.constant 1.000000e+00 : f32
        %div3A_70 = vector.broadcast %div3A : f32 to vector<16xf32>
        %div3A_71 = arith.divf %div3A_70, %max3A_69 : vector<16xf32>
        %gt3A = arith.constant 1.000000e-01 : f32
        %gt3A_72 = vector.broadcast %gt3A : f32 to vector<16xf32>
        %gt3A_73 = arith.cmpf ogt, %get3A_64, %gt3A_72 : vector<16xf32>
        %lt3A = arith.constant 1.000000e+02 : f32
        %lt3A_74 = vector.broadcast %lt3A : f32 to vector<16xf32>
        %lt3A_75 = arith.cmpf olt, %get3A_64, %lt3A_74 : vector<16xf32>
        %and3A = arith.andi %gt3A_73, %lt3A_75 : vector<16xi1>
        %broadcast_in_dim3A_76 = arith.constant 0.000000e+00 : f32
        %broadcast_in_dim3A_77 = vector.broadcast %broadcast_in_dim3A_76 : f32 to vector<16xf32>
        %select_n3A = arith.select %and3A, %div3A_71, %broadcast_in_dim3A_77 : vector<16xi1>, vector<16xf32>
        %select_n3A_78 = arith.select %and3A, %get3A_67, %broadcast_in_dim3A_77 : vector<16xi1>, vector<16xf32>
        %jit3A = arith.constant 1.000000e+00 : f32
        %broadcast_in_dim3A_79 = vector.broadcast %jit3A : f32 to vector<16xf32>
        %select_n3A_80 = arith.select %and3A, %broadcast_in_dim3A_79, %broadcast_in_dim3A_77 : vector<16xi1>, vector<16xf32>
        %add3A_81 = arith.addf %scan3A_52, %select_n3A_80 : vector<16xf32>
        %add3A_82 = arith.addf %scan3A_53, %select_n3A : vector<16xf32>
        %add3A_83 = arith.addf %scan3A_54, %select_n3A_78 : vector<16xf32>
        %mul3A_84 = arith.mulf %select_n3A, %select_n3A_78 : vector<16xf32>
        %add3A_85 = arith.addf %scan3A_55, %mul3A_84 : vector<16xf32>
        %mul3A_86 = arith.mulf %select_n3A_78, %select_n3A_78 : vector<16xf32>
        %add3A_87 = arith.addf %scan3A_56, %mul3A_86 : vector<16xf32>
        %mul3A_88 = arith.constant 8 : i32
        %mul3A_89 = arith.muli %scan3A_51, %mul3A_88 : i32
        %add3A_90 = arith.constant 1 : i32
        %add3A_91 = arith.addi %mul3A_89, %add3A_90 : i32
        %mul3A_92 = arith.constant 16 : i32
        %mul3A_93 = arith.muli %add3A_91, %mul3A_92 : i32
        %get3A_94 = arith.index_cast %mul3A_93 : i32 to index
        %get3A_95 = tpu.vector_load %arg5[%get3A_94] {strides = array<i32>} : memref<8192xf32, #tpu.memory_space<vmem>>, vector<16xf32>,
        %get3A_96 = vector.shape_cast %get3A_95 : vector<16xf32> to vector<16xf32>
        %get3A_97 = arith.index_cast %mul3A_93 : i32 to index
        %get3A_98 = tpu.vector_load %arg6[%get3A_97] {strides = array<i32>} : memref<8192xf32, #tpu.memory_space<vmem>>, vector<16xf32>,
        %get3A_99 = vector.shape_cast %get3A_98 : vector<16xf32> to vector<16xf32>
        %max3A_100 = arith.constant 9.99999997E-7 : f32
        %max3A_101 = vector.broadcast %max3A_100 : f32 to vector<16xf32>
        %max3A_102 = arith.maximumf %get3A_96, %max3A_101 : vector<16xf32>
        %div3A_103 = arith.constant 1.000000e+00 : f32
        %div3A_104 = vector.broadcast %div3A_103 : f32 to vector<16xf32>
        %div3A_105 = arith.divf %div3A_104, %max3A_102 : vector<16xf32>
        %gt3A_106 = arith.constant 1.000000e-01 : f32
        %gt3A_107 = vector.broadcast %gt3A_106 : f32 to vector<16xf32>
        %gt3A_108 = arith.cmpf ogt, %get3A_96, %gt3A_107 : vector<16xf32>
        %lt3A_109 = arith.constant 1.000000e+02 : f32
        %lt3A_110 = vector.broadcast %lt3A_109 : f32 to vector<16xf32>
        %lt3A_111 = arith.cmpf olt, %get3A_96, %lt3A_110 : vector<16xf32>
        %and3A_112 = arith.andi %gt3A_108, %lt3A_111 : vector<16xi1>
        %broadcast_in_dim3A_113 = arith.constant 0.000000e+00 : f32
        %broadcast_in_dim3A_114 = vector.broadcast %broadcast_in_dim3A_113 : f32 to vector<16xf32>
        %select_n3A_115 = arith.select %and3A_112, %div3A_105, %broadcast_in_dim3A_114 : vector<16xi1>, vector<16xf32>
        %select_n3A_116 = arith.select %and3A_112, %get3A_99, %broadcast_in_dim3A_114 : vector<16xi1>, vector<16xf32>
        %jit3A_117 = arith.constant 1.000000e+00 : f32
        %broadcast_in_dim3A_118 = vector.broadcast %jit3A_117 : f32 to vector<16xf32>
        %select_n3A_119 = arith.select %and3A_112, %broadcast_in_dim3A_118, %broadcast_in_dim3A_114 : vector<16xi1>, vector<16xf32>
        %add3A_120 = arith.addf %add3A_81, %select_n3A_119 : vector<16xf32>
        %add3A_121 = arith.addf %add3A_82, %select_n3A_115 : vector<16xf32>
        %add3A_122 = arith.addf %add3A_83, %select_n3A_116 : vector<16xf32>
        %mul3A_123 = arith.mulf %select_n3A_115, %select_n3A_116 : vector<16xf32>
        %add3A_124 = arith.addf %add3A_85, %mul3A_123 : vector<16xf32>
        %mul3A_125 = arith.mulf %select_n3A_116, %select_n3A_116 : vector<16xf32>
        %add3A_126 = arith.addf %add3A_87, %mul3A_125 : vector<16xf32>
        %mul3A_127 = arith.constant 8 : i32
        %mul3A_128 = arith.muli %scan3A_51, %mul3A_127 : i32
        %add3A_129 = arith.constant 2 : i32
        %add3A_130 = arith.addi %mul3A_128, %add3A_129 : i32
        %mul3A_131 = arith.constant 16 : i32
        %mul3A_132 = arith.muli %add3A_130, %mul3A_131 : i32
        %get3A_133 = arith.index_cast %mul3A_132 : i32 to index
        %get3A_134 = tpu.vector_load %arg5[%get3A_133] {strides = array<i32>} : memref<8192xf32, #tpu.memory_space<vmem>>, vector<16xf32>,
        %get3A_135 = vector.shape_cast %get3A_134 : vector<16xf32> to vector<16xf32>
        %get3A_136 = arith.index_cast %mul3A_132 : i32 to index
        %get3A_137 = tpu.vector_load %arg6[%get3A_136] {strides = array<i32>} : memref<8192xf32, #tpu.memory_space<vmem>>, vector<16xf32>,
        %get3A_138 = vector.shape_cast %get3A_137 : vector<16xf32> to vector<16xf32>
        %max3A_139 = arith.constant 9.99999997E-7 : f32
        %max3A_140 = vector.broadcast %max3A_139 : f32 to vector<16xf32>
        %max3A_141 = arith.maximumf %get3A_135, %max3A_140 : vector<16xf32>
        %div3A_142 = arith.constant 1.000000e+00 : f32
        %div3A_143 = vector.broadcast %div3A_142 : f32 to vector<16xf32>
        %div3A_144 = arith.divf %div3A_143, %max3A_141 : vector<16xf32>
        %gt3A_145 = arith.constant 1.000000e-01 : f32
        %gt3A_146 = vector.broadcast %gt3A_145 : f32 to vector<16xf32>
        %gt3A_147 = arith.cmpf ogt, %get3A_135, %gt3A_146 : vector<16xf32>
        %lt3A_148 = arith.constant 1.000000e+02 : f32
        %lt3A_149 = vector.broadcast %lt3A_148 : f32 to vector<16xf32>
        %lt3A_150 = arith.cmpf olt, %get3A_135, %lt3A_149 : vector<16xf32>
        %and3A_151 = arith.andi %gt3A_147, %lt3A_150 : vector<16xi1>
        %broadcast_in_dim3A_152 = arith.constant 0.000000e+00 : f32
        %broadcast_in_dim3A_153 = vector.broadcast %broadcast_in_dim3A_152 : f32 to vector<16xf32>
        %select_n3A_154 = arith.select %and3A_151, %div3A_144, %broadcast_in_dim3A_153 : vector<16xi1>, vector<16xf32>
        %select_n3A_155 = arith.select %and3A_151, %get3A_138, %broadcast_in_dim3A_153 : vector<16xi1>, vector<16xf32>
        %jit3A_156 = arith.constant 1.000000e+00 : f32
        %broadcast_in_dim3A_157 = vector.broadcast %jit3A_156 : f32 to vector<16xf32>
        %select_n3A_158 = arith.select %and3A_151, %broadcast_in_dim3A_157, %broadcast_in_dim3A_153 : vector<16xi1>, vector<16xf32>
        %add3A_159 = arith.addf %add3A_120, %select_n3A_158 : vector<16xf32>
        %add3A_160 = arith.addf %add3A_121, %select_n3A_154 : vector<16xf32>
        %add3A_161 = arith.addf %add3A_122, %select_n3A_155 : vector<16xf32>
        %mul3A_162 = arith.mulf %select_n3A_154, %select_n3A_155 : vector<16xf32>
        %add3A_163 = arith.addf %add3A_124, %mul3A_162 : vector<16xf32>
        %mul3A_164 = arith.mulf %select_n3A_155, %select_n3A_155 : vector<16xf32>
        %add3A_165 = arith.addf %add3A_126, %mul3A_164 : vector<16xf32>
        %mul3A_166 = arith.constant 8 : i32
        %mul3A_167 = arith.muli %scan3A_51, %mul3A_166 : i32
        %add3A_168 = arith.constant 3 : i32
        %add3A_169 = arith.addi %mul3A_167, %add3A_168 : i32
        %mul3A_170 = arith.constant 16 : i32
        %mul3A_171 = arith.muli %add3A_169, %mul3A_170 : i32
        %get3A_172 = arith.index_cast %mul3A_171 : i32 to index
        %get3A_173 = tpu.vector_load %arg5[%get3A_172] {strides = array<i32>} : memref<8192xf32, #tpu.memory_space<vmem>>, vector<16xf32>,
        %get3A_174 = vector.shape_cast %get3A_173 : vector<16xf32> to vector<16xf32>
        %get3A_175 = arith.index_cast %mul3A_171 : i32 to index
        %get3A_176 = tpu.vector_load %arg6[%get3A_175] {strides = array<i32>} : memref<8192xf32, #tpu.memory_space<vmem>>, vector<16xf32>,
        %get3A_177 = vector.shape_cast %get3A_176 : vector<16xf32> to vector<16xf32>
        %max3A_178 = arith.constant 9.99999997E-7 : f32
        %max3A_179 = vector.broadcast %max3A_178 : f32 to vector<16xf32>
        %max3A_180 = arith.maximumf %get3A_174, %max3A_179 : vector<16xf32>
        %div3A_181 = arith.constant 1.000000e+00 : f32
        %div3A_182 = vector.broadcast %div3A_181 : f32 to vector<16xf32>
        %div3A_183 = arith.divf %div3A_182, %max3A_180 : vector<16xf32>
        %gt3A_184 = arith.constant 1.000000e-01 : f32
        %gt3A_185 = vector.broadcast %gt3A_184 : f32 to vector<16xf32>
        %gt3A_186 = arith.cmpf ogt, %get3A_174, %gt3A_185 : vector<16xf32>
        %lt3A_187 = arith.constant 1.000000e+02 : f32
        %lt3A_188 = vector.broadcast %lt3A_187 : f32 to vector<16xf32>
        %lt3A_189 = arith.cmpf olt, %get3A_174, %lt3A_188 : vector<16xf32>
        %and3A_190 = arith.andi %gt3A_186, %lt3A_189 : vector<16xi1>
        %broadcast_in_dim3A_191 = arith.constant 0.000000e+00 : f32
        %broadcast_in_dim3A_192 = vector.broadcast %broadcast_in_dim3A_191 : f32 to vector<16xf32>
        %select_n3A_193 = arith.select %and3A_190, %div3A_183, %broadcast_in_dim3A_192 : vector<16xi1>, vector<16xf32>
        %select_n3A_194 = arith.select %and3A_190, %get3A_177, %broadcast_in_dim3A_192 : vector<16xi1>, vector<16xf32>
        %jit3A_195 = arith.constant 1.000000e+00 : f32
        %broadcast_in_dim3A_196 = vector.broadcast %jit3A_195 : f32 to vector<16xf32>
        %select_n3A_197 = arith.select %and3A_190, %broadcast_in_dim3A_196, %broadcast_in_dim3A_192 : vector<16xi1>, vector<16xf32>
        %add3A_198 = arith.addf %add3A_159, %select_n3A_197 : vector<16xf32>
        %add3A_199 = arith.addf %add3A_160, %select_n3A_193 : vector<16xf32>
        %add3A_200 = arith.addf %add3A_161, %select_n3A_194 : vector<16xf32>
        %mul3A_201 = arith.mulf %select_n3A_193, %select_n3A_194 : vector<16xf32>
        %add3A_202 = arith.addf %add3A_163, %mul3A_201 : vector<16xf32>
        %mul3A_203 = arith.mulf %select_n3A_194, %select_n3A_194 : vector<16xf32>
        %add3A_204 = arith.addf %add3A_165, %mul3A_203 : vector<16xf32>
        %mul3A_205 = arith.constant 8 : i32
        %mul3A_206 = arith.muli %scan3A_51, %mul3A_205 : i32
        %add3A_207 = arith.constant 4 : i32
        %add3A_208 = arith.addi %mul3A_206, %add3A_207 : i32
        %mul3A_209 = arith.constant 16 : i32
        %mul3A_210 = arith.muli %add3A_208, %mul3A_209 : i32
        %get3A_211 = arith.index_cast %mul3A_210 : i32 to index
        %get3A_212 = tpu.vector_load %arg5[%get3A_211] {strides = array<i32>} : memref<8192xf32, #tpu.memory_space<vmem>>, vector<16xf32>,
        %get3A_213 = vector.shape_cast %get3A_212 : vector<16xf32> to vector<16xf32>
        %get3A_214 = arith.index_cast %mul3A_210 : i32 to index
        %get3A_215 = tpu.vector_load %arg6[%get3A_214] {strides = array<i32>} : memref<8192xf32, #tpu.memory_space<vmem>>, vector<16xf32>,
        %get3A_216 = vector.shape_cast %get3A_215 : vector<16xf32> to vector<16xf32>
        %max3A_217 = arith.constant 9.99999997E-7 : f32
        %max3A_218 = vector.broadcast %max3A_217 : f32 to vector<16xf32>
        %max3A_219 = arith.maximumf %get3A_213, %max3A_218 : vector<16xf32>
        %div3A_220 = arith.constant 1.000000e+00 : f32
        %div3A_221 = vector.broadcast %div3A_220 : f32 to vector<16xf32>
        %div3A_222 = arith.divf %div3A_221, %max3A_219 : vector<16xf32>
        %gt3A_223 = arith.constant 1.000000e-01 : f32
        %gt3A_224 = vector.broadcast %gt3A_223 : f32 to vector<16xf32>
        %gt3A_225 = arith.cmpf ogt, %get3A_213, %gt3A_224 : vector<16xf32>
        %lt3A_226 = arith.constant 1.000000e+02 : f32
        %lt3A_227 = vector.broadcast %lt3A_226 : f32 to vector<16xf32>
        %lt3A_228 = arith.cmpf olt, %get3A_213, %lt3A_227 : vector<16xf32>
        %and3A_229 = arith.andi %gt3A_225, %lt3A_228 : vector<16xi1>
        %broadcast_in_dim3A_230 = arith.constant 0.000000e+00 : f32
        %broadcast_in_dim3A_231 = vector.broadcast %broadcast_in_dim3A_230 : f32 to vector<16xf32>
        %select_n3A_232 = arith.select %and3A_229, %div3A_222, %broadcast_in_dim3A_231 : vector<16xi1>, vector<16xf32>
        %select_n3A_233 = arith.select %and3A_229, %get3A_216, %broadcast_in_dim3A_231 : vector<16xi1>, vector<16xf32>
        %jit3A_234 = arith.constant 1.000000e+00 : f32
        %broadcast_in_dim3A_235 = vector.broadcast %jit3A_234 : f32 to vector<16xf32>
        %select_n3A_236 = arith.select %and3A_229, %broadcast_in_dim3A_235, %broadcast_in_dim3A_231 : vector<16xi1>, vector<16xf32>
        %add3A_237 = arith.addf %add3A_198, %select_n3A_236 : vector<16xf32>
        %add3A_238 = arith.addf %add3A_199, %select_n3A_232 : vector<16xf32>
        %add3A_239 = arith.addf %add3A_200, %select_n3A_233 : vector<16xf32>
        %mul3A_240 = arith.mulf %select_n3A_232, %select_n3A_233 : vector<16xf32>
        %add3A_241 = arith.addf %add3A_202, %mul3A_240 : vector<16xf32>
        %mul3A_242 = arith.mulf %select_n3A_233, %select_n3A_233 : vector<16xf32>
        %add3A_243 = arith.addf %add3A_204, %mul3A_242 : vector<16xf32>
        %mul3A_244 = arith.constant 8 : i32
        %mul3A_245 = arith.muli %scan3A_51, %mul3A_244 : i32
        %add3A_246 = arith.constant 5 : i32
        %add3A_247 = arith.addi %mul3A_245, %add3A_246 : i32
        %mul3A_248 = arith.constant 16 : i32
        %mul3A_249 = arith.muli %add3A_247, %mul3A_248 : i32
        %get3A_250 = arith.index_cast %mul3A_249 : i32 to index
        %get3A_251 = tpu.vector_load %arg5[%get3A_250] {strides = array<i32>} : memref<8192xf32, #tpu.memory_space<vmem>>, vector<16xf32>,
        %get3A_252 = vector.shape_cast %get3A_251 : vector<16xf32> to vector<16xf32>
        %get3A_253 = arith.index_cast %mul3A_249 : i32 to index
        %get3A_254 = tpu.vector_load %arg6[%get3A_253] {strides = array<i32>} : memref<8192xf32, #tpu.memory_space<vmem>>, vector<16xf32>,
        %get3A_255 = vector.shape_cast %get3A_254 : vector<16xf32> to vector<16xf32>
        %max3A_256 = arith.constant 9.99999997E-7 : f32
        %max3A_257 = vector.broadcast %max3A_256 : f32 to vector<16xf32>
        %max3A_258 = arith.maximumf %get3A_252, %max3A_257 : vector<16xf32>
        %div3A_259 = arith.constant 1.000000e+00 : f32
        %div3A_260 = vector.broadcast %div3A_259 : f32 to vector<16xf32>
        %div3A_261 = arith.divf %div3A_260, %max3A_258 : vector<16xf32>
        %gt3A_262 = arith.constant 1.000000e-01 : f32
        %gt3A_263 = vector.broadcast %gt3A_262 : f32 to vector<16xf32>
        %gt3A_264 = arith.cmpf ogt, %get3A_252, %gt3A_263 : vector<16xf32>
        %lt3A_265 = arith.constant 1.000000e+02 : f32
        %lt3A_266 = vector.broadcast %lt3A_265 : f32 to vector<16xf32>
        %lt3A_267 = arith.cmpf olt, %get3A_252, %lt3A_266 : vector<16xf32>
        %and3A_268 = arith.andi %gt3A_264, %lt3A_267 : vector<16xi1>
        %broadcast_in_dim3A_269 = arith.constant 0.000000e+00 : f32
        %broadcast_in_dim3A_270 = vector.broadcast %broadcast_in_dim3A_269 : f32 to vector<16xf32>
        %select_n3A_271 = arith.select %and3A_268, %div3A_261, %broadcast_in_dim3A_270 : vector<16xi1>, vector<16xf32>
        %select_n3A_272 = arith.select %and3A_268, %get3A_255, %broadcast_in_dim3A_270 : vector<16xi1>, vector<16xf32>
        %jit3A_273 = arith.constant 1.000000e+00 : f32
        %broadcast_in_dim3A_274 = vector.broadcast %jit3A_273 : f32 to vector<16xf32>
        %select_n3A_275 = arith.select %and3A_268, %broadcast_in_dim3A_274, %broadcast_in_dim3A_270 : vector<16xi1>, vector<16xf32>
        %add3A_276 = arith.addf %add3A_237, %select_n3A_275 : vector<16xf32>
        %add3A_277 = arith.addf %add3A_238, %select_n3A_271 : vector<16xf32>
        %add3A_278 = arith.addf %add3A_239, %select_n3A_272 : vector<16xf32>
        %mul3A_279 = arith.mulf %select_n3A_271, %select_n3A_272 : vector<16xf32>
        %add3A_280 = arith.addf %add3A_241, %mul3A_279 : vector<16xf32>
        %mul3A_281 = arith.mulf %select_n3A_272, %select_n3A_272 : vector<16xf32>
        %add3A_282 = arith.addf %add3A_243, %mul3A_281 : vector<16xf32>
        %mul3A_283 = arith.constant 8 : i32
        %mul3A_284 = arith.muli %scan3A_51, %mul3A_283 : i32
        %add3A_285 = arith.constant 6 : i32
        %add3A_286 = arith.addi %mul3A_284, %add3A_285 : i32
        %mul3A_287 = arith.constant 16 : i32
        %mul3A_288 = arith.muli %add3A_286, %mul3A_287 : i32
        %get3A_289 = arith.index_cast %mul3A_288 : i32 to index
        %get3A_290 = tpu.vector_load %arg5[%get3A_289] {strides = array<i32>} : memref<8192xf32, #tpu.memory_space<vmem>>, vector<16xf32>,
        %get3A_291 = vector.shape_cast %get3A_290 : vector<16xf32> to vector<16xf32>
        %get3A_292 = arith.index_cast %mul3A_288 : i32 to index
        %get3A_293 = tpu.vector_load %arg6[%get3A_292] {strides = array<i32>} : memref<8192xf32, #tpu.memory_space<vmem>>, vector<16xf32>,
        %get3A_294 = vector.shape_cast %get3A_293 : vector<16xf32> to vector<16xf32>
        %max3A_295 = arith.constant 9.99999997E-7 : f32
        %max3A_296 = vector.broadcast %max3A_295 : f32 to vector<16xf32>
        %max3A_297 = arith.maximumf %get3A_291, %max3A_296 : vector<16xf32>
        %div3A_298 = arith.constant 1.000000e+00 : f32
        %div3A_299 = vector.broadcast %div3A_298 : f32 to vector<16xf32>
        %div3A_300 = arith.divf %div3A_299, %max3A_297 : vector<16xf32>
        %gt3A_301 = arith.constant 1.000000e-01 : f32
        %gt3A_302 = vector.broadcast %gt3A_301 : f32 to vector<16xf32>
        %gt3A_303 = arith.cmpf ogt, %get3A_291, %gt3A_302 : vector<16xf32>
        %lt3A_304 = arith.constant 1.000000e+02 : f32
        %lt3A_305 = vector.broadcast %lt3A_304 : f32 to vector<16xf32>
        %lt3A_306 = arith.cmpf olt, %get3A_291, %lt3A_305 : vector<16xf32>
        %and3A_307 = arith.andi %gt3A_303, %lt3A_306 : vector<16xi1>
        %broadcast_in_dim3A_308 = arith.constant 0.000000e+00 : f32
        %broadcast_in_dim3A_309 = vector.broadcast %broadcast_in_dim3A_308 : f32 to vector<16xf32>
        %select_n3A_310 = arith.select %and3A_307, %div3A_300, %broadcast_in_dim3A_309 : vector<16xi1>, vector<16xf32>
        %select_n3A_311 = arith.select %and3A_307, %get3A_294, %broadcast_in_dim3A_309 : vector<16xi1>, vector<16xf32>
        %jit3A_312 = arith.constant 1.000000e+00 : f32
        %broadcast_in_dim3A_313 = vector.broadcast %jit3A_312 : f32 to vector<16xf32>
        %select_n3A_314 = arith.select %and3A_307, %broadcast_in_dim3A_313, %broadcast_in_dim3A_309 : vector<16xi1>, vector<16xf32>
        %add3A_315 = arith.addf %add3A_276, %select_n3A_314 : vector<16xf32>
        %add3A_316 = arith.addf %add3A_277, %select_n3A_310 : vector<16xf32>
        %add3A_317 = arith.addf %add3A_278, %select_n3A_311 : vector<16xf32>
        %mul3A_318 = arith.mulf %select_n3A_310, %select_n3A_311 : vector<16xf32>
        %add3A_319 = arith.addf %add3A_280, %mul3A_318 : vector<16xf32>
        %mul3A_320 = arith.mulf %select_n3A_311, %select_n3A_311 : vector<16xf32>
        %add3A_321 = arith.addf %add3A_282, %mul3A_320 : vector<16xf32>
        %mul3A_322 = arith.constant 8 : i32
        %mul3A_323 = arith.muli %scan3A_51, %mul3A_322 : i32
        %add3A_324 = arith.constant 7 : i32
        %add3A_325 = arith.addi %mul3A_323, %add3A_324 : i32
        %mul3A_326 = arith.constant 16 : i32
        %mul3A_327 = arith.muli %add3A_325, %mul3A_326 : i32
        %get3A_328 = arith.index_cast %mul3A_327 : i32 to index
        %get3A_329 = tpu.vector_load %arg5[%get3A_328] {strides = array<i32>} : memref<8192xf32, #tpu.memory_space<vmem>>, vector<16xf32>,
        %get3A_330 = vector.shape_cast %get3A_329 : vector<16xf32> to vector<16xf32>
        %get3A_331 = arith.index_cast %mul3A_327 : i32 to index
        %get3A_332 = tpu.vector_load %arg6[%get3A_331] {strides = array<i32>} : memref<8192xf32, #tpu.memory_space<vmem>>, vector<16xf32>,
        %get3A_333 = vector.shape_cast %get3A_332 : vector<16xf32> to vector<16xf32>
        %max3A_334 = arith.constant 9.99999997E-7 : f32
        %max3A_335 = vector.broadcast %max3A_334 : f32 to vector<16xf32>
        %max3A_336 = arith.maximumf %get3A_330, %max3A_335 : vector<16xf32>
        %div3A_337 = arith.constant 1.000000e+00 : f32
        %div3A_338 = vector.broadcast %div3A_337 : f32 to vector<16xf32>
        %div3A_339 = arith.divf %div3A_338, %max3A_336 : vector<16xf32>
        %gt3A_340 = arith.constant 1.000000e-01 : f32
        %gt3A_341 = vector.broadcast %gt3A_340 : f32 to vector<16xf32>
        %gt3A_342 = arith.cmpf ogt, %get3A_330, %gt3A_341 : vector<16xf32>
        %lt3A_343 = arith.constant 1.000000e+02 : f32
        %lt3A_344 = vector.broadcast %lt3A_343 : f32 to vector<16xf32>
        %lt3A_345 = arith.cmpf olt, %get3A_330, %lt3A_344 : vector<16xf32>
        %and3A_346 = arith.andi %gt3A_342, %lt3A_345 : vector<16xi1>
        %broadcast_in_dim3A_347 = arith.constant 0.000000e+00 : f32
        %broadcast_in_dim3A_348 = vector.broadcast %broadcast_in_dim3A_347 : f32 to vector<16xf32>
        %select_n3A_349 = arith.select %and3A_346, %div3A_339, %broadcast_in_dim3A_348 : vector<16xi1>, vector<16xf32>
        %select_n3A_350 = arith.select %and3A_346, %get3A_333, %broadcast_in_dim3A_348 : vector<16xi1>, vector<16xf32>
        %jit3A_351 = arith.constant 1.000000e+00 : f32
        %broadcast_in_dim3A_352 = vector.broadcast %jit3A_351 : f32 to vector<16xf32>
        %select_n3A_353 = arith.select %and3A_346, %broadcast_in_dim3A_352, %broadcast_in_dim3A_348 : vector<16xi1>, vector<16xf32>
        %add3A_354 = arith.addf %add3A_315, %select_n3A_353 : vector<16xf32>
        %add3A_355 = arith.addf %add3A_316, %select_n3A_349 : vector<16xf32>
        %add3A_356 = arith.addf %add3A_317, %select_n3A_350 : vector<16xf32>
        %mul3A_357 = arith.mulf %select_n3A_349, %select_n3A_350 : vector<16xf32>
        %add3A_358 = arith.addf %add3A_319, %mul3A_357 : vector<16xf32>
        %mul3A_359 = arith.mulf %select_n3A_350, %select_n3A_350 : vector<16xf32>
        %add3A_360 = arith.addf %add3A_321, %mul3A_359 : vector<16xf32>
        scf.yield %add3A_354, %add3A_355, %add3A_356, %add3A_358, %add3A_360 : vector<16xf32>, vector<16xf32>, vector<16xf32>, vector<16xf32>, vector<16xf32>
      }
      %scan3A_50 = arith.constant 64 : i32
      scf.yield %scan3A_49#0, %scan3A_49#1, %scan3A_49#2, %scan3A_49#3, %scan3A_49#4 : vector<16xf32>, vector<16xf32>, vector<16xf32>, vector<16xf32>, vector<16xf32>
    }
    %scan3A_8 = arith.constant 8 : i32
    %swap3A = arith.constant 0 : index
    %swap3A_9 = tpu.vector_load %arg7[%swap3A] {strides = array<i32>} : memref<80xf32, #tpu.memory_space<vmem>>, vector<16xf32>,
    %swap3A_10 = vector.shape_cast %swap3A_9 : vector<16xf32> to vector<16xf32>
    %swap3A_11 = vector.shape_cast %scan3A_7#0 : vector<16xf32> to vector<16xf32>
    tpu.vector_store %arg7[%swap3A], %swap3A_11 {strides = array<i32>} : memref<80xf32, #tpu.memory_space<vmem>>, vector<16xf32>,
    %swap3A_12 = arith.constant 16 : index
    %swap3A_13 = tpu.vector_load %arg7[%swap3A_12] {strides = array<i32>} : memref<80xf32, #tpu.memory_space<vmem>>, vector<16xf32>,
    %swap3A_14 = vector.shape_cast %swap3A_13 : vector<16xf32> to vector<16xf32>
    %swap3A_15 = vector.shape_cast %scan3A_7#1 : vector<16xf32> to vector<16xf32>
    tpu.vector_store %arg7[%swap3A_12], %swap3A_15 {strides = array<i32>} : memref<80xf32, #tpu.memory_space<vmem>>, vector<16xf32>,
    %swap3A_16 = arith.constant 32 : index
    %swap3A_17 = tpu.vector_load %arg7[%swap3A_16] {strides = array<i32>} : memref<80xf32, #tpu.memory_space<vmem>>, vector<16xf32>,
    %swap3A_18 = vector.shape_cast %swap3A_17 : vector<16xf32> to vector<16xf32>
    %swap3A_19 = vector.shape_cast %scan3A_7#2 : vector<16xf32> to vector<16xf32>
    tpu.vector_store %arg7[%swap3A_16], %swap3A_19 {strides = array<i32>} : memref<80xf32, #tpu.memory_space<vmem>>, vector<16xf32>,
    %swap3A_20 = arith.constant 48 : index
    %swap3A_21 = tpu.vector_load %arg7[%swap3A_20] {strides = array<i32>} : memref<80xf32, #tpu.memory_space<vmem>>, vector<16xf32>,
    %swap3A_22 = vector.shape_cast %swap3A_21 : vector<16xf32> to vector<16xf32>
    %swap3A_23 = vector.shape_cast %scan3A_7#3 : vector<16xf32> to vector<16xf32>
    tpu.vector_store %arg7[%swap3A_20], %swap3A_23 {strides = array<i32>} : memref<80xf32, #tpu.memory_space<vmem>>, vector<16xf32>,
    %swap3A_24 = arith.constant 64 : index
    %swap3A_25 = tpu.vector_load %arg7[%swap3A_24] {strides = array<i32>} : memref<80xf32, #tpu.memory_space<vmem>>, vector<16xf32>,
    %swap3A_26 = vector.shape_cast %swap3A_25 : vector<16xf32> to vector<16xf32>
    %swap3A_27 = vector.shape_cast %scan3A_7#4 : vector<16xf32> to vector<16xf32>
    tpu.vector_store %arg7[%swap3A_24], %swap3A_27 {strides = array<i32>} : memref<80xf32, #tpu.memory_space<vmem>>, vector<16xf32>,
    %mul3A_28 = arith.constant 2 : i32
    %mul3A_29 = arith.muli %arg1, %mul3A_28 : i32
    %add3A_30 = arith.addi %mul3A_29, %arg0 : i32
    %mul3A_31 = arith.constant 80 : i32
    %mul3A_32 = arith.muli %add3A_30, %mul3A_31 : i32
    "tpu.region"() ({
      %run_scoped3A = tpu.sem_alloc : memref<!tpu.dma_semaphore, #tpu.memory_space<semaphore_mem>>
      %dma_start3A = tpu.memref_slice %arg4[%mul3A_32] : memref<2560xf32, #tpu.memory_space<hbm>> -> memref<80xf32, #tpu.memory_space<hbm>>
      %dma_start3A_33 = tpu.memref_slice %arg4[%mul3A_32] : memref<2560xf32, #tpu.memory_space<hbm>> -> memref<80xf32, #tpu.memory_space<hbm>>
      tpu.enqueue_dma source(%arg7 : memref<80xf32, #tpu.memory_space<vmem>>) target(%dma_start3A_33 : memref<80xf32, #tpu.memory_space<hbm>>) target_semaphore(%run_scoped3A : memref<!tpu.dma_semaphore, #tpu.memory_space<semaphore_mem>>)
      %dma_wait3A = tpu.memref_slice %arg4[%mul3A_32] : memref<2560xf32, #tpu.memory_space<hbm>> -> memref<80xf32, #tpu.memory_space<hbm>>
      %dma_wait3A_34 = tpu.memref_slice %arg4[%mul3A_32] : memref<2560xf32, #tpu.memory_space<hbm>> -> memref<80xf32, #tpu.memory_space<hbm>>
      tpu.wait_dma2 semaphore(%run_scoped3A : memref<!tpu.dma_semaphore, #tpu.memory_space<semaphore_mem>>) src(%arg7 : memref<80xf32, #tpu.memory_space<vmem>>) dst(%dma_wait3A_34 : memref<80xf32, #tpu.memory_space<hbm>>)
      tpu.yield
    }) : () -> ()
    return
  }
}

#map = affine_map<(d0, d1) -> (0)>
module attributes {stable_mosaic.version = 14 : i64} {
  func.func @_sc_pass2(%arg0: i32, %arg1: i32, %arg2: memref<2097152xf32, #tpu.memory_space<hbm>>, %arg3: memref<2097152xf32, #tpu.memory_space<hbm>>, %arg4: memref<2560xf32, #tpu.memory_space<hbm>>, %arg5: memref<512xf32, #tpu.memory_space<hbm>>, %arg6: memref<8192xf32, #tpu.memory_space<vmem>>, %arg7: memref<8192xf32, #tpu.memory_space<vmem>>, %arg8: memref<2560xf32, #tpu.memory_space<vmem>>, %arg9: memref<16xf32, #tpu.memory_space<vmem>>) attributes {dimension_semantics = [#tpu.dimension_semantics<core_parallel>, #tpu.dimension_semantics<subcore_parallel>], iteration_bounds = array<i64: 2, 16>, scalar_prefetch = 0 : i64, scratch_operands = 4 : i64, tpu.core_type = #tpu.core_type<sc_vector_subcore>, window_params = [{transform_indices = #map}, {transform_indices = #map}, {transform_indices = #map}, {transform_indices = #map}]} {
    %mul3A = arith.constant 2 : i32
    %mul3A_0 = arith.muli %arg1, %mul3A : i32
    %add3A = arith.addi %mul3A_0, %arg0 : i32
    %mul3A_1 = arith.constant 65536 : i32
    %mul3A_2 = arith.muli %add3A, %mul3A_1 : i32
    "tpu.region"() ({
      %run_scoped3A = tpu.sem_alloc : memref<!tpu.dma_semaphore, #tpu.memory_space<semaphore_mem>>
      tpu.enqueue_dma source(%arg4 : memref<2560xf32, #tpu.memory_space<hbm>>) target(%arg8 : memref<2560xf32, #tpu.memory_space<vmem>>) target_semaphore(%run_scoped3A : memref<!tpu.dma_semaphore, #tpu.memory_space<semaphore_mem>>)
      tpu.wait_dma2 semaphore(%run_scoped3A : memref<!tpu.dma_semaphore, #tpu.memory_space<semaphore_mem>>) src(%arg4 : memref<2560xf32, #tpu.memory_space<hbm>>) dst(%arg8 : memref<2560xf32, #tpu.memory_space<vmem>>)
      tpu.yield
    }) : () -> ()
    %broadcast_in_dim3A = arith.constant 0.000000e+00 : f32
    %broadcast_in_dim3A_3 = vector.broadcast %broadcast_in_dim3A : f32 to vector<16xf32>
    %scan3A = arith.constant 0 : i32
    %scan3A_4 = arith.constant 32 : i32
    %scan3A_5 = arith.addi %scan3A, %scan3A_4 : i32
    %scan3A_6 = arith.constant 1 : i32
    %scan3A_7:5 = scf.for %scan3A_279 = %scan3A to %scan3A_5 step %scan3A_6 iter_args(%scan3A_280 = %broadcast_in_dim3A_3, %scan3A_281 = %broadcast_in_dim3A_3, %scan3A_282 = %broadcast_in_dim3A_3, %scan3A_283 = %broadcast_in_dim3A_3, %scan3A_284 = %broadcast_in_dim3A_3) -> (vector<16xf32>, vector<16xf32>, vector<16xf32>, vector<16xf32>, vector<16xf32>)  : i32 {
      %mul3A_285 = arith.constant 80 : i32
      %mul3A_286 = arith.muli %scan3A_279, %mul3A_285 : i32
      %get3A = arith.index_cast %mul3A_286 : i32 to index
      %get3A_287 = tpu.vector_load %arg8[%get3A] {strides = array<i32>} : memref<2560xf32, #tpu.memory_space<vmem>>, vector<16xf32>,
      %get3A_288 = vector.shape_cast %get3A_287 : vector<16xf32> to vector<16xf32>
      %add3A_289 = arith.addf %scan3A_280, %get3A_288 : vector<16xf32>
      %mul3A_290 = arith.constant 80 : i32
      %mul3A_291 = arith.muli %scan3A_279, %mul3A_290 : i32
      %add3A_292 = arith.constant 16 : i32
      %add3A_293 = arith.addi %mul3A_291, %add3A_292 : i32
      %get3A_294 = arith.index_cast %add3A_293 : i32 to index
      %get3A_295 = tpu.vector_load %arg8[%get3A_294] {strides = array<i32>} : memref<2560xf32, #tpu.memory_space<vmem>>, vector<16xf32>,
      %get3A_296 = vector.shape_cast %get3A_295 : vector<16xf32> to vector<16xf32>
      %add3A_297 = arith.addf %scan3A_281, %get3A_296 : vector<16xf32>
      %mul3A_298 = arith.constant 80 : i32
      %mul3A_299 = arith.muli %scan3A_279, %mul3A_298 : i32
      %add3A_300 = arith.constant 32 : i32
      %add3A_301 = arith.addi %mul3A_299, %add3A_300 : i32
      %get3A_302 = arith.index_cast %add3A_301 : i32 to index
      %get3A_303 = tpu.vector_load %arg8[%get3A_302] {strides = array<i32>} : memref<2560xf32, #tpu.memory_space<vmem>>, vector<16xf32>,
      %get3A_304 = vector.shape_cast %get3A_303 : vector<16xf32> to vector<16xf32>
      %add3A_305 = arith.addf %scan3A_282, %get3A_304 : vector<16xf32>
      %mul3A_306 = arith.constant 80 : i32
      %mul3A_307 = arith.muli %scan3A_279, %mul3A_306 : i32
      %add3A_308 = arith.constant 48 : i32
      %add3A_309 = arith.addi %mul3A_307, %add3A_308 : i32
      %get3A_310 = arith.index_cast %add3A_309 : i32 to index
      %get3A_311 = tpu.vector_load %arg8[%get3A_310] {strides = array<i32>} : memref<2560xf32, #tpu.memory_space<vmem>>, vector<16xf32>,
      %get3A_312 = vector.shape_cast %get3A_311 : vector<16xf32> to vector<16xf32>
      %add3A_313 = arith.addf %scan3A_283, %get3A_312 : vector<16xf32>
      %mul3A_314 = arith.constant 80 : i32
      %mul3A_315 = arith.muli %scan3A_279, %mul3A_314 : i32
      %add3A_316 = arith.constant 64 : i32
      %add3A_317 = arith.addi %mul3A_315, %add3A_316 : i32
      %get3A_318 = arith.index_cast %add3A_317 : i32 to index
      %get3A_319 = tpu.vector_load %arg8[%get3A_318] {strides = array<i32>} : memref<2560xf32, #tpu.memory_space<vmem>>, vector<16xf32>,
      %get3A_320 = vector.shape_cast %get3A_319 : vector<16xf32> to vector<16xf32>
      %add3A_321 = arith.addf %scan3A_284, %get3A_320 : vector<16xf32>
      scf.yield %add3A_289, %add3A_297, %add3A_305, %add3A_313, %add3A_321 : vector<16xf32>, vector<16xf32>, vector<16xf32>, vector<16xf32>, vector<16xf32>
    }
    %scan3A_8 = arith.constant 32 : i32
    %slice3A = vector.extract_strided_slice %scan3A_7#0 {offsets = [0], sizes = [1], strides = [1]} : vector<16xf32> to vector<1xf32>
    %squeeze3A = vector.extract %slice3A[0] : f32 from vector<1xf32>
    %slice3A_9 = vector.extract_strided_slice %scan3A_7#0 {offsets = [1], sizes = [1], strides = [1]} : vector<16xf32> to vector<1xf32>
    %squeeze3A_10 = vector.extract %slice3A_9[0] : f32 from vector<1xf32>
    %add3A_11 = arith.addf %squeeze3A, %squeeze3A_10 : f32
    %slice3A_12 = vector.extract_strided_slice %scan3A_7#0 {offsets = [2], sizes = [1], strides = [1]} : vector<16xf32> to vector<1xf32>
    %squeeze3A_13 = vector.extract %slice3A_12[0] : f32 from vector<1xf32>
    %add3A_14 = arith.addf %add3A_11, %squeeze3A_13 : f32
    %slice3A_15 = vector.extract_strided_slice %scan3A_7#0 {offsets = [3], sizes = [1], strides = [1]} : vector<16xf32> to vector<1xf32>
    %squeeze3A_16 = vector.extract %slice3A_15[0] : f32 from vector<1xf32>
    %add3A_17 = arith.addf %add3A_14, %squeeze3A_16 : f32
    %slice3A_18 = vector.extract_strided_slice %scan3A_7#0 {offsets = [4], sizes = [1], strides = [1]} : vector<16xf32> to vector<1xf32>
    %squeeze3A_19 = vector.extract %slice3A_18[0] : f32 from vector<1xf32>
    %add3A_20 = arith.addf %add3A_17, %squeeze3A_19 : f32
    %slice3A_21 = vector.extract_strided_slice %scan3A_7#0 {offsets = [5], sizes = [1], strides = [1]} : vector<16xf32> to vector<1xf32>
    %squeeze3A_22 = vector.extract %slice3A_21[0] : f32 from vector<1xf32>
    %add3A_23 = arith.addf %add3A_20, %squeeze3A_22 : f32
    %slice3A_24 = vector.extract_strided_slice %scan3A_7#0 {offsets = [6], sizes = [1], strides = [1]} : vector<16xf32> to vector<1xf32>
    %squeeze3A_25 = vector.extract %slice3A_24[0] : f32 from vector<1xf32>
    %add3A_26 = arith.addf %add3A_23, %squeeze3A_25 : f32
    %slice3A_27 = vector.extract_strided_slice %scan3A_7#0 {offsets = [7], sizes = [1], strides = [1]} : vector<16xf32> to vector<1xf32>
    %squeeze3A_28 = vector.extract %slice3A_27[0] : f32 from vector<1xf32>
    %add3A_29 = arith.addf %add3A_26, %squeeze3A_28 : f32
    %slice3A_30 = vector.extract_strided_slice %scan3A_7#0 {offsets = [8], sizes = [1], strides = [1]} : vector<16xf32> to vector<1xf32>
    %squeeze3A_31 = vector.extract %slice3A_30[0] : f32 from vector<1xf32>
    %add3A_32 = arith.addf %add3A_29, %squeeze3A_31 : f32
    %slice3A_33 = vector.extract_strided_slice %scan3A_7#0 {offsets = [9], sizes = [1], strides = [1]} : vector<16xf32> to vector<1xf32>
    %squeeze3A_34 = vector.extract %slice3A_33[0] : f32 from vector<1xf32>
    %add3A_35 = arith.addf %add3A_32, %squeeze3A_34 : f32
    %slice3A_36 = vector.extract_strided_slice %scan3A_7#0 {offsets = [10], sizes = [1], strides = [1]} : vector<16xf32> to vector<1xf32>
    %squeeze3A_37 = vector.extract %slice3A_36[0] : f32 from vector<1xf32>
    %add3A_38 = arith.addf %add3A_35, %squeeze3A_37 : f32
    %slice3A_39 = vector.extract_strided_slice %scan3A_7#0 {offsets = [11], sizes = [1], strides = [1]} : vector<16xf32> to vector<1xf32>
    %squeeze3A_40 = vector.extract %slice3A_39[0] : f32 from vector<1xf32>
    %add3A_41 = arith.addf %add3A_38, %squeeze3A_40 : f32
    %slice3A_42 = vector.extract_strided_slice %scan3A_7#0 {offsets = [12], sizes = [1], strides = [1]} : vector<16xf32> to vector<1xf32>
    %squeeze3A_43 = vector.extract %slice3A_42[0] : f32 from vector<1xf32>
    %add3A_44 = arith.addf %add3A_41, %squeeze3A_43 : f32
    %slice3A_45 = vector.extract_strided_slice %scan3A_7#0 {offsets = [13], sizes = [1], strides = [1]} : vector<16xf32> to vector<1xf32>
    %squeeze3A_46 = vector.extract %slice3A_45[0] : f32 from vector<1xf32>
    %add3A_47 = arith.addf %add3A_44, %squeeze3A_46 : f32
    %slice3A_48 = vector.extract_strided_slice %scan3A_7#0 {offsets = [14], sizes = [1], strides = [1]} : vector<16xf32> to vector<1xf32>
    %squeeze3A_49 = vector.extract %slice3A_48[0] : f32 from vector<1xf32>
    %add3A_50 = arith.addf %add3A_47, %squeeze3A_49 : f32
    %slice3A_51 = vector.extract_strided_slice %scan3A_7#0 {offsets = [15], sizes = [1], strides = [1]} : vector<16xf32> to vector<1xf32>
    %squeeze3A_52 = vector.extract %slice3A_51[0] : f32 from vector<1xf32>
    %add3A_53 = arith.addf %add3A_50, %squeeze3A_52 : f32
    %broadcast_in_dim3A_54 = vector.broadcast %add3A_53 : f32 to vector<16xf32>
    %slice3A_55 = vector.extract_strided_slice %scan3A_7#1 {offsets = [0], sizes = [1], strides = [1]} : vector<16xf32> to vector<1xf32>
    %squeeze3A_56 = vector.extract %slice3A_55[0] : f32 from vector<1xf32>
    %slice3A_57 = vector.extract_strided_slice %scan3A_7#1 {offsets = [1], sizes = [1], strides = [1]} : vector<16xf32> to vector<1xf32>
    %squeeze3A_58 = vector.extract %slice3A_57[0] : f32 from vector<1xf32>
    %add3A_59 = arith.addf %squeeze3A_56, %squeeze3A_58 : f32
    %slice3A_60 = vector.extract_strided_slice %scan3A_7#1 {offsets = [2], sizes = [1], strides = [1]} : vector<16xf32> to vector<1xf32>
    %squeeze3A_61 = vector.extract %slice3A_60[0] : f32 from vector<1xf32>
    %add3A_62 = arith.addf %add3A_59, %squeeze3A_61 : f32
    %slice3A_63 = vector.extract_strided_slice %scan3A_7#1 {offsets = [3], sizes = [1], strides = [1]} : vector<16xf32> to vector<1xf32>
    %squeeze3A_64 = vector.extract %slice3A_63[0] : f32 from vector<1xf32>
    %add3A_65 = arith.addf %add3A_62, %squeeze3A_64 : f32
    %slice3A_66 = vector.extract_strided_slice %scan3A_7#1 {offsets = [4], sizes = [1], strides = [1]} : vector<16xf32> to vector<1xf32>
    %squeeze3A_67 = vector.extract %slice3A_66[0] : f32 from vector<1xf32>
    %add3A_68 = arith.addf %add3A_65, %squeeze3A_67 : f32
    %slice3A_69 = vector.extract_strided_slice %scan3A_7#1 {offsets = [5], sizes = [1], strides = [1]} : vector<16xf32> to vector<1xf32>
    %squeeze3A_70 = vector.extract %slice3A_69[0] : f32 from vector<1xf32>
    %add3A_71 = arith.addf %add3A_68, %squeeze3A_70 : f32
    %slice3A_72 = vector.extract_strided_slice %scan3A_7#1 {offsets = [6], sizes = [1], strides = [1]} : vector<16xf32> to vector<1xf32>
    %squeeze3A_73 = vector.extract %slice3A_72[0] : f32 from vector<1xf32>
    %add3A_74 = arith.addf %add3A_71, %squeeze3A_73 : f32
    %slice3A_75 = vector.extract_strided_slice %scan3A_7#1 {offsets = [7], sizes = [1], strides = [1]} : vector<16xf32> to vector<1xf32>
    %squeeze3A_76 = vector.extract %slice3A_75[0] : f32 from vector<1xf32>
    %add3A_77 = arith.addf %add3A_74, %squeeze3A_76 : f32
    %slice3A_78 = vector.extract_strided_slice %scan3A_7#1 {offsets = [8], sizes = [1], strides = [1]} : vector<16xf32> to vector<1xf32>
    %squeeze3A_79 = vector.extract %slice3A_78[0] : f32 from vector<1xf32>
    %add3A_80 = arith.addf %add3A_77, %squeeze3A_79 : f32
    %slice3A_81 = vector.extract_strided_slice %scan3A_7#1 {offsets = [9], sizes = [1], strides = [1]} : vector<16xf32> to vector<1xf32>
    %squeeze3A_82 = vector.extract %slice3A_81[0] : f32 from vector<1xf32>
    %add3A_83 = arith.addf %add3A_80, %squeeze3A_82 : f32
    %slice3A_84 = vector.extract_strided_slice %scan3A_7#1 {offsets = [10], sizes = [1], strides = [1]} : vector<16xf32> to vector<1xf32>
    %squeeze3A_85 = vector.extract %slice3A_84[0] : f32 from vector<1xf32>
    %add3A_86 = arith.addf %add3A_83, %squeeze3A_85 : f32
    %slice3A_87 = vector.extract_strided_slice %scan3A_7#1 {offsets = [11], sizes = [1], strides = [1]} : vector<16xf32> to vector<1xf32>
    %squeeze3A_88 = vector.extract %slice3A_87[0] : f32 from vector<1xf32>
    %add3A_89 = arith.addf %add3A_86, %squeeze3A_88 : f32
    %slice3A_90 = vector.extract_strided_slice %scan3A_7#1 {offsets = [12], sizes = [1], strides = [1]} : vector<16xf32> to vector<1xf32>
    %squeeze3A_91 = vector.extract %slice3A_90[0] : f32 from vector<1xf32>
    %add3A_92 = arith.addf %add3A_89, %squeeze3A_91 : f32
    %slice3A_93 = vector.extract_strided_slice %scan3A_7#1 {offsets = [13], sizes = [1], strides = [1]} : vector<16xf32> to vector<1xf32>
    %squeeze3A_94 = vector.extract %slice3A_93[0] : f32 from vector<1xf32>
    %add3A_95 = arith.addf %add3A_92, %squeeze3A_94 : f32
    %slice3A_96 = vector.extract_strided_slice %scan3A_7#1 {offsets = [14], sizes = [1], strides = [1]} : vector<16xf32> to vector<1xf32>
    %squeeze3A_97 = vector.extract %slice3A_96[0] : f32 from vector<1xf32>
    %add3A_98 = arith.addf %add3A_95, %squeeze3A_97 : f32
    %slice3A_99 = vector.extract_strided_slice %scan3A_7#1 {offsets = [15], sizes = [1], strides = [1]} : vector<16xf32> to vector<1xf32>
    %squeeze3A_100 = vector.extract %slice3A_99[0] : f32 from vector<1xf32>
    %add3A_101 = arith.addf %add3A_98, %squeeze3A_100 : f32
    %broadcast_in_dim3A_102 = vector.broadcast %add3A_101 : f32 to vector<16xf32>
    %slice3A_103 = vector.extract_strided_slice %scan3A_7#2 {offsets = [0], sizes = [1], strides = [1]} : vector<16xf32> to vector<1xf32>
    %squeeze3A_104 = vector.extract %slice3A_103[0] : f32 from vector<1xf32>
    %slice3A_105 = vector.extract_strided_slice %scan3A_7#2 {offsets = [1], sizes = [1], strides = [1]} : vector<16xf32> to vector<1xf32>
    %squeeze3A_106 = vector.extract %slice3A_105[0] : f32 from vector<1xf32>
    %add3A_107 = arith.addf %squeeze3A_104, %squeeze3A_106 : f32
    %slice3A_108 = vector.extract_strided_slice %scan3A_7#2 {offsets = [2], sizes = [1], strides = [1]} : vector<16xf32> to vector<1xf32>
    %squeeze3A_109 = vector.extract %slice3A_108[0] : f32 from vector<1xf32>
    %add3A_110 = arith.addf %add3A_107, %squeeze3A_109 : f32
    %slice3A_111 = vector.extract_strided_slice %scan3A_7#2 {offsets = [3], sizes = [1], strides = [1]} : vector<16xf32> to vector<1xf32>
    %squeeze3A_112 = vector.extract %slice3A_111[0] : f32 from vector<1xf32>
    %add3A_113 = arith.addf %add3A_110, %squeeze3A_112 : f32
    %slice3A_114 = vector.extract_strided_slice %scan3A_7#2 {offsets = [4], sizes = [1], strides = [1]} : vector<16xf32> to vector<1xf32>
    %squeeze3A_115 = vector.extract %slice3A_114[0] : f32 from vector<1xf32>
    %add3A_116 = arith.addf %add3A_113, %squeeze3A_115 : f32
    %slice3A_117 = vector.extract_strided_slice %scan3A_7#2 {offsets = [5], sizes = [1], strides = [1]} : vector<16xf32> to vector<1xf32>
    %squeeze3A_118 = vector.extract %slice3A_117[0] : f32 from vector<1xf32>
    %add3A_119 = arith.addf %add3A_116, %squeeze3A_118 : f32
    %slice3A_120 = vector.extract_strided_slice %scan3A_7#2 {offsets = [6], sizes = [1], strides = [1]} : vector<16xf32> to vector<1xf32>
    %squeeze3A_121 = vector.extract %slice3A_120[0] : f32 from vector<1xf32>
    %add3A_122 = arith.addf %add3A_119, %squeeze3A_121 : f32
    %slice3A_123 = vector.extract_strided_slice %scan3A_7#2 {offsets = [7], sizes = [1], strides = [1]} : vector<16xf32> to vector<1xf32>
    %squeeze3A_124 = vector.extract %slice3A_123[0] : f32 from vector<1xf32>
    %add3A_125 = arith.addf %add3A_122, %squeeze3A_124 : f32
    %slice3A_126 = vector.extract_strided_slice %scan3A_7#2 {offsets = [8], sizes = [1], strides = [1]} : vector<16xf32> to vector<1xf32>
    %squeeze3A_127 = vector.extract %slice3A_126[0] : f32 from vector<1xf32>
    %add3A_128 = arith.addf %add3A_125, %squeeze3A_127 : f32
    %slice3A_129 = vector.extract_strided_slice %scan3A_7#2 {offsets = [9], sizes = [1], strides = [1]} : vector<16xf32> to vector<1xf32>
    %squeeze3A_130 = vector.extract %slice3A_129[0] : f32 from vector<1xf32>
    %add3A_131 = arith.addf %add3A_128, %squeeze3A_130 : f32
    %slice3A_132 = vector.extract_strided_slice %scan3A_7#2 {offsets = [10], sizes = [1], strides = [1]} : vector<16xf32> to vector<1xf32>
    %squeeze3A_133 = vector.extract %slice3A_132[0] : f32 from vector<1xf32>
    %add3A_134 = arith.addf %add3A_131, %squeeze3A_133 : f32
    %slice3A_135 = vector.extract_strided_slice %scan3A_7#2 {offsets = [11], sizes = [1], strides = [1]} : vector<16xf32> to vector<1xf32>
    %squeeze3A_136 = vector.extract %slice3A_135[0] : f32 from vector<1xf32>
    %add3A_137 = arith.addf %add3A_134, %squeeze3A_136 : f32
    %slice3A_138 = vector.extract_strided_slice %scan3A_7#2 {offsets = [12], sizes = [1], strides = [1]} : vector<16xf32> to vector<1xf32>
    %squeeze3A_139 = vector.extract %slice3A_138[0] : f32 from vector<1xf32>
    %add3A_140 = arith.addf %add3A_137, %squeeze3A_139 : f32
    %slice3A_141 = vector.extract_strided_slice %scan3A_7#2 {offsets = [13], sizes = [1], strides = [1]} : vector<16xf32> to vector<1xf32>
    %squeeze3A_142 = vector.extract %slice3A_141[0] : f32 from vector<1xf32>
    %add3A_143 = arith.addf %add3A_140, %squeeze3A_142 : f32
    %slice3A_144 = vector.extract_strided_slice %scan3A_7#2 {offsets = [14], sizes = [1], strides = [1]} : vector<16xf32> to vector<1xf32>
    %squeeze3A_145 = vector.extract %slice3A_144[0] : f32 from vector<1xf32>
    %add3A_146 = arith.addf %add3A_143, %squeeze3A_145 : f32
    %slice3A_147 = vector.extract_strided_slice %scan3A_7#2 {offsets = [15], sizes = [1], strides = [1]} : vector<16xf32> to vector<1xf32>
    %squeeze3A_148 = vector.extract %slice3A_147[0] : f32 from vector<1xf32>
    %add3A_149 = arith.addf %add3A_146, %squeeze3A_148 : f32
    %broadcast_in_dim3A_150 = vector.broadcast %add3A_149 : f32 to vector<16xf32>
    %slice3A_151 = vector.extract_strided_slice %scan3A_7#3 {offsets = [0], sizes = [1], strides = [1]} : vector<16xf32> to vector<1xf32>
    %squeeze3A_152 = vector.extract %slice3A_151[0] : f32 from vector<1xf32>
    %slice3A_153 = vector.extract_strided_slice %scan3A_7#3 {offsets = [1], sizes = [1], strides = [1]} : vector<16xf32> to vector<1xf32>
    %squeeze3A_154 = vector.extract %slice3A_153[0] : f32 from vector<1xf32>
    %add3A_155 = arith.addf %squeeze3A_152, %squeeze3A_154 : f32
    %slice3A_156 = vector.extract_strided_slice %scan3A_7#3 {offsets = [2], sizes = [1], strides = [1]} : vector<16xf32> to vector<1xf32>
    %squeeze3A_157 = vector.extract %slice3A_156[0] : f32 from vector<1xf32>
    %add3A_158 = arith.addf %add3A_155, %squeeze3A_157 : f32
    %slice3A_159 = vector.extract_strided_slice %scan3A_7#3 {offsets = [3], sizes = [1], strides = [1]} : vector<16xf32> to vector<1xf32>
    %squeeze3A_160 = vector.extract %slice3A_159[0] : f32 from vector<1xf32>
    %add3A_161 = arith.addf %add3A_158, %squeeze3A_160 : f32
    %slice3A_162 = vector.extract_strided_slice %scan3A_7#3 {offsets = [4], sizes = [1], strides = [1]} : vector<16xf32> to vector<1xf32>
    %squeeze3A_163 = vector.extract %slice3A_162[0] : f32 from vector<1xf32>
    %add3A_164 = arith.addf %add3A_161, %squeeze3A_163 : f32
    %slice3A_165 = vector.extract_strided_slice %scan3A_7#3 {offsets = [5], sizes = [1], strides = [1]} : vector<16xf32> to vector<1xf32>
    %squeeze3A_166 = vector.extract %slice3A_165[0] : f32 from vector<1xf32>
    %add3A_167 = arith.addf %add3A_164, %squeeze3A_166 : f32
    %slice3A_168 = vector.extract_strided_slice %scan3A_7#3 {offsets = [6], sizes = [1], strides = [1]} : vector<16xf32> to vector<1xf32>
    %squeeze3A_169 = vector.extract %slice3A_168[0] : f32 from vector<1xf32>
    %add3A_170 = arith.addf %add3A_167, %squeeze3A_169 : f32
    %slice3A_171 = vector.extract_strided_slice %scan3A_7#3 {offsets = [7], sizes = [1], strides = [1]} : vector<16xf32> to vector<1xf32>
    %squeeze3A_172 = vector.extract %slice3A_171[0] : f32 from vector<1xf32>
    %add3A_173 = arith.addf %add3A_170, %squeeze3A_172 : f32
    %slice3A_174 = vector.extract_strided_slice %scan3A_7#3 {offsets = [8], sizes = [1], strides = [1]} : vector<16xf32> to vector<1xf32>
    %squeeze3A_175 = vector.extract %slice3A_174[0] : f32 from vector<1xf32>
    %add3A_176 = arith.addf %add3A_173, %squeeze3A_175 : f32
    %slice3A_177 = vector.extract_strided_slice %scan3A_7#3 {offsets = [9], sizes = [1], strides = [1]} : vector<16xf32> to vector<1xf32>
    %squeeze3A_178 = vector.extract %slice3A_177[0] : f32 from vector<1xf32>
    %add3A_179 = arith.addf %add3A_176, %squeeze3A_178 : f32
    %slice3A_180 = vector.extract_strided_slice %scan3A_7#3 {offsets = [10], sizes = [1], strides = [1]} : vector<16xf32> to vector<1xf32>
    %squeeze3A_181 = vector.extract %slice3A_180[0] : f32 from vector<1xf32>
    %add3A_182 = arith.addf %add3A_179, %squeeze3A_181 : f32
    %slice3A_183 = vector.extract_strided_slice %scan3A_7#3 {offsets = [11], sizes = [1], strides = [1]} : vector<16xf32> to vector<1xf32>
    %squeeze3A_184 = vector.extract %slice3A_183[0] : f32 from vector<1xf32>
    %add3A_185 = arith.addf %add3A_182, %squeeze3A_184 : f32
    %slice3A_186 = vector.extract_strided_slice %scan3A_7#3 {offsets = [12], sizes = [1], strides = [1]} : vector<16xf32> to vector<1xf32>
    %squeeze3A_187 = vector.extract %slice3A_186[0] : f32 from vector<1xf32>
    %add3A_188 = arith.addf %add3A_185, %squeeze3A_187 : f32
    %slice3A_189 = vector.extract_strided_slice %scan3A_7#3 {offsets = [13], sizes = [1], strides = [1]} : vector<16xf32> to vector<1xf32>
    %squeeze3A_190 = vector.extract %slice3A_189[0] : f32 from vector<1xf32>
    %add3A_191 = arith.addf %add3A_188, %squeeze3A_190 : f32
    %slice3A_192 = vector.extract_strided_slice %scan3A_7#3 {offsets = [14], sizes = [1], strides = [1]} : vector<16xf32> to vector<1xf32>
    %squeeze3A_193 = vector.extract %slice3A_192[0] : f32 from vector<1xf32>
    %add3A_194 = arith.addf %add3A_191, %squeeze3A_193 : f32
    %slice3A_195 = vector.extract_strided_slice %scan3A_7#3 {offsets = [15], sizes = [1], strides = [1]} : vector<16xf32> to vector<1xf32>
    %squeeze3A_196 = vector.extract %slice3A_195[0] : f32 from vector<1xf32>
    %add3A_197 = arith.addf %add3A_194, %squeeze3A_196 : f32
    %broadcast_in_dim3A_198 = vector.broadcast %add3A_197 : f32 to vector<16xf32>
    %slice3A_199 = vector.extract_strided_slice %scan3A_7#4 {offsets = [0], sizes = [1], strides = [1]} : vector<16xf32> to vector<1xf32>
    %squeeze3A_200 = vector.extract %slice3A_199[0] : f32 from vector<1xf32>
    %slice3A_201 = vector.extract_strided_slice %scan3A_7#4 {offsets = [1], sizes = [1], strides = [1]} : vector<16xf32> to vector<1xf32>
    %squeeze3A_202 = vector.extract %slice3A_201[0] : f32 from vector<1xf32>
    %add3A_203 = arith.addf %squeeze3A_200, %squeeze3A_202 : f32
    %slice3A_204 = vector.extract_strided_slice %scan3A_7#4 {offsets = [2], sizes = [1], strides = [1]} : vector<16xf32> to vector<1xf32>
    %squeeze3A_205 = vector.extract %slice3A_204[0] : f32 from vector<1xf32>
    %add3A_206 = arith.addf %add3A_203, %squeeze3A_205 : f32
    %slice3A_207 = vector.extract_strided_slice %scan3A_7#4 {offsets = [3], sizes = [1], strides = [1]} : vector<16xf32> to vector<1xf32>
    %squeeze3A_208 = vector.extract %slice3A_207[0] : f32 from vector<1xf32>
    %add3A_209 = arith.addf %add3A_206, %squeeze3A_208 : f32
    %slice3A_210 = vector.extract_strided_slice %scan3A_7#4 {offsets = [4], sizes = [1], strides = [1]} : vector<16xf32> to vector<1xf32>
    %squeeze3A_211 = vector.extract %slice3A_210[0] : f32 from vector<1xf32>
    %add3A_212 = arith.addf %add3A_209, %squeeze3A_211 : f32
    %slice3A_213 = vector.extract_strided_slice %scan3A_7#4 {offsets = [5], sizes = [1], strides = [1]} : vector<16xf32> to vector<1xf32>
    %squeeze3A_214 = vector.extract %slice3A_213[0] : f32 from vector<1xf32>
    %add3A_215 = arith.addf %add3A_212, %squeeze3A_214 : f32
    %slice3A_216 = vector.extract_strided_slice %scan3A_7#4 {offsets = [6], sizes = [1], strides = [1]} : vector<16xf32> to vector<1xf32>
    %squeeze3A_217 = vector.extract %slice3A_216[0] : f32 from vector<1xf32>
    %add3A_218 = arith.addf %add3A_215, %squeeze3A_217 : f32
    %slice3A_219 = vector.extract_strided_slice %scan3A_7#4 {offsets = [7], sizes = [1], strides = [1]} : vector<16xf32> to vector<1xf32>
    %squeeze3A_220 = vector.extract %slice3A_219[0] : f32 from vector<1xf32>
    %add3A_221 = arith.addf %add3A_218, %squeeze3A_220 : f32
    %slice3A_222 = vector.extract_strided_slice %scan3A_7#4 {offsets = [8], sizes = [1], strides = [1]} : vector<16xf32> to vector<1xf32>
    %squeeze3A_223 = vector.extract %slice3A_222[0] : f32 from vector<1xf32>
    %add3A_224 = arith.addf %add3A_221, %squeeze3A_223 : f32
    %slice3A_225 = vector.extract_strided_slice %scan3A_7#4 {offsets = [9], sizes = [1], strides = [1]} : vector<16xf32> to vector<1xf32>
    %squeeze3A_226 = vector.extract %slice3A_225[0] : f32 from vector<1xf32>
    %add3A_227 = arith.addf %add3A_224, %squeeze3A_226 : f32
    %slice3A_228 = vector.extract_strided_slice %scan3A_7#4 {offsets = [10], sizes = [1], strides = [1]} : vector<16xf32> to vector<1xf32>
    %squeeze3A_229 = vector.extract %slice3A_228[0] : f32 from vector<1xf32>
    %add3A_230 = arith.addf %add3A_227, %squeeze3A_229 : f32
    %slice3A_231 = vector.extract_strided_slice %scan3A_7#4 {offsets = [11], sizes = [1], strides = [1]} : vector<16xf32> to vector<1xf32>
    %squeeze3A_232 = vector.extract %slice3A_231[0] : f32 from vector<1xf32>
    %add3A_233 = arith.addf %add3A_230, %squeeze3A_232 : f32
    %slice3A_234 = vector.extract_strided_slice %scan3A_7#4 {offsets = [12], sizes = [1], strides = [1]} : vector<16xf32> to vector<1xf32>
    %squeeze3A_235 = vector.extract %slice3A_234[0] : f32 from vector<1xf32>
    %add3A_236 = arith.addf %add3A_233, %squeeze3A_235 : f32
    %slice3A_237 = vector.extract_strided_slice %scan3A_7#4 {offsets = [13], sizes = [1], strides = [1]} : vector<16xf32> to vector<1xf32>
    %squeeze3A_238 = vector.extract %slice3A_237[0] : f32 from vector<1xf32>
    %add3A_239 = arith.addf %add3A_236, %squeeze3A_238 : f32
    %slice3A_240 = vector.extract_strided_slice %scan3A_7#4 {offsets = [14], sizes = [1], strides = [1]} : vector<16xf32> to vector<1xf32>
    %squeeze3A_241 = vector.extract %slice3A_240[0] : f32 from vector<1xf32>
    %add3A_242 = arith.addf %add3A_239, %squeeze3A_241 : f32
    %slice3A_243 = vector.extract_strided_slice %scan3A_7#4 {offsets = [15], sizes = [1], strides = [1]} : vector<16xf32> to vector<1xf32>
    %squeeze3A_244 = vector.extract %slice3A_243[0] : f32 from vector<1xf32>
    %add3A_245 = arith.addf %add3A_242, %squeeze3A_244 : f32
    %broadcast_in_dim3A_246 = vector.broadcast %add3A_245 : f32 to vector<16xf32>
    %max3A = arith.constant 1.000000e+00 : f32
    %max3A_247 = vector.broadcast %max3A : f32 to vector<16xf32>
    %max3A_248 = arith.maximumf %broadcast_in_dim3A_54, %max3A_247 : vector<16xf32>
    %div3A = arith.divf %broadcast_in_dim3A_102, %max3A_248 : vector<16xf32>
    %div3A_249 = arith.divf %broadcast_in_dim3A_150, %max3A_248 : vector<16xf32>
    %div3A_250 = arith.divf %broadcast_in_dim3A_198, %max3A_248 : vector<16xf32>
    %div3A_251 = arith.divf %broadcast_in_dim3A_246, %max3A_248 : vector<16xf32>
    %mul3A_252 = arith.mulf %div3A, %div3A_249 : vector<16xf32>
    %sub3A = arith.subf %div3A_250, %mul3A_252 : vector<16xf32>
    %mul3A_253 = arith.mulf %div3A_249, %div3A_249 : vector<16xf32>
    %sub3A_254 = arith.subf %div3A_251, %mul3A_253 : vector<16xf32>
    %add3A_255 = arith.constant 9.99999993E-9 : f32
    %add3A_256 = vector.broadcast %add3A_255 : f32 to vector<16xf32>
    %add3A_257 = arith.addf %sub3A_254, %add3A_256 : vector<16xf32>
    %div3A_258 = arith.divf %sub3A, %add3A_257 : vector<16xf32>
    %max3A_259 = arith.constant 9.99999974E-5 : f32
    %max3A_260 = vector.broadcast %max3A_259 : f32 to vector<16xf32>
    %max3A_261 = arith.maximumf %div3A_258, %max3A_260 : vector<16xf32>
    %mul3A_262 = arith.mulf %max3A_261, %div3A_249 : vector<16xf32>
    %sub3A_263 = arith.subf %div3A, %mul3A_262 : vector<16xf32>
    %scan3A_264 = arith.constant 0 : i32
    %scan3A_265 = arith.constant 8 : i32
    %scan3A_266 = arith.addi %scan3A_264, %scan3A_265 : i32
    %scan3A_267 = arith.constant 1 : i32
    %scan3A_268 = scf.for %scan3A_279 = %scan3A_264 to %scan3A_266 step %scan3A_267 iter_args(%scan3A_280 = %broadcast_in_dim3A_3) -> (vector<16xf32>)  : i32 {
      %mul3A_281 = arith.constant 8192 : i32
      %mul3A_282 = arith.muli %scan3A_279, %mul3A_281 : i32
      %add3A_283 = arith.addi %mul3A_2, %mul3A_282 : i32
      "tpu.region"() ({
        %run_scoped3A = tpu.sem_alloc : memref<!tpu.dma_semaphore, #tpu.memory_space<semaphore_mem>>
        %dma_start3A = tpu.memref_slice %arg2[%add3A_283] : memref<2097152xf32, #tpu.memory_space<hbm>> -> memref<8192xf32, #tpu.memory_space<hbm>>
        %dma_start3A_293 = tpu.memref_slice %arg2[%add3A_283] : memref<2097152xf32, #tpu.memory_space<hbm>> -> memref<8192xf32, #tpu.memory_space<hbm>>
        tpu.enqueue_dma source(%dma_start3A_293 : memref<8192xf32, #tpu.memory_space<hbm>>) target(%arg6 : memref<8192xf32, #tpu.memory_space<vmem>>) target_semaphore(%run_scoped3A : memref<!tpu.dma_semaphore, #tpu.memory_space<semaphore_mem>>)
        %dma_wait3A = tpu.memref_slice %arg2[%add3A_283] : memref<2097152xf32, #tpu.memory_space<hbm>> -> memref<8192xf32, #tpu.memory_space<hbm>>
        %dma_wait3A_294 = tpu.memref_slice %arg2[%add3A_283] : memref<2097152xf32, #tpu.memory_space<hbm>> -> memref<8192xf32, #tpu.memory_space<hbm>>
        tpu.wait_dma2 semaphore(%run_scoped3A : memref<!tpu.dma_semaphore, #tpu.memory_space<semaphore_mem>>) src(%dma_wait3A_294 : memref<8192xf32, #tpu.memory_space<hbm>>) dst(%arg6 : memref<8192xf32, #tpu.memory_space<vmem>>)
        tpu.yield
      }) : () -> ()
      %mul3A_284 = arith.constant 8192 : i32
      %mul3A_285 = arith.muli %scan3A_279, %mul3A_284 : i32
      %add3A_286 = arith.addi %mul3A_2, %mul3A_285 : i32
      "tpu.region"() ({
        %run_scoped3A = tpu.sem_alloc : memref<!tpu.dma_semaphore, #tpu.memory_space<semaphore_mem>>
        %dma_start3A = tpu.memref_slice %arg3[%add3A_286] : memref<2097152xf32, #tpu.memory_space<hbm>> -> memref<8192xf32, #tpu.memory_space<hbm>>
        %dma_start3A_293 = tpu.memref_slice %arg3[%add3A_286] : memref<2097152xf32, #tpu.memory_space<hbm>> -> memref<8192xf32, #tpu.memory_space<hbm>>
        tpu.enqueue_dma source(%dma_start3A_293 : memref<8192xf32, #tpu.memory_space<hbm>>) target(%arg7 : memref<8192xf32, #tpu.memory_space<vmem>>) target_semaphore(%run_scoped3A : memref<!tpu.dma_semaphore, #tpu.memory_space<semaphore_mem>>)
        %dma_wait3A = tpu.memref_slice %arg3[%add3A_286] : memref<2097152xf32, #tpu.memory_space<hbm>> -> memref<8192xf32, #tpu.memory_space<hbm>>
        %dma_wait3A_294 = tpu.memref_slice %arg3[%add3A_286] : memref<2097152xf32, #tpu.memory_space<hbm>> -> memref<8192xf32, #tpu.memory_space<hbm>>
        tpu.wait_dma2 semaphore(%run_scoped3A : memref<!tpu.dma_semaphore, #tpu.memory_space<semaphore_mem>>) src(%dma_wait3A_294 : memref<8192xf32, #tpu.memory_space<hbm>>) dst(%arg7 : memref<8192xf32, #tpu.memory_space<vmem>>)
        tpu.yield
      }) : () -> ()
      %scan3A_287 = arith.constant 0 : i32
      %scan3A_288 = arith.constant 64 : i32
      %scan3A_289 = arith.addi %scan3A_287, %scan3A_288 : i32
      %scan3A_290 = arith.constant 1 : i32
      %scan3A_291 = scf.for %scan3A_293 = %scan3A_287 to %scan3A_289 step %scan3A_290 iter_args(%scan3A_294 = %scan3A_280) -> (vector<16xf32>)  : i32 {
        %mul3A_295 = arith.constant 8 : i32
        %mul3A_296 = arith.muli %scan3A_293, %mul3A_295 : i32
        %add3A_297 = arith.constant 0 : i32
        %add3A_298 = arith.addi %mul3A_296, %add3A_297 : i32
        %mul3A_299 = arith.constant 16 : i32
        %mul3A_300 = arith.muli %add3A_298, %mul3A_299 : i32
        %get3A = arith.index_cast %mul3A_300 : i32 to index
        %get3A_301 = tpu.vector_load %arg6[%get3A] {strides = array<i32>} : memref<8192xf32, #tpu.memory_space<vmem>>, vector<16xf32>,
        %get3A_302 = vector.shape_cast %get3A_301 : vector<16xf32> to vector<16xf32>
        %get3A_303 = arith.index_cast %mul3A_300 : i32 to index
        %get3A_304 = tpu.vector_load %arg7[%get3A_303] {strides = array<i32>} : memref<8192xf32, #tpu.memory_space<vmem>>, vector<16xf32>,
        %get3A_305 = vector.shape_cast %get3A_304 : vector<16xf32> to vector<16xf32>
        %max3A_306 = arith.constant 9.99999997E-7 : f32
        %max3A_307 = vector.broadcast %max3A_306 : f32 to vector<16xf32>
        %max3A_308 = arith.maximumf %get3A_302, %max3A_307 : vector<16xf32>
        %div3A_309 = arith.constant 1.000000e+00 : f32
        %div3A_310 = vector.broadcast %div3A_309 : f32 to vector<16xf32>
        %div3A_311 = arith.divf %div3A_310, %max3A_308 : vector<16xf32>
        %gt3A = arith.constant 1.000000e-01 : f32
        %gt3A_312 = vector.broadcast %gt3A : f32 to vector<16xf32>
        %gt3A_313 = arith.cmpf ogt, %get3A_302, %gt3A_312 : vector<16xf32>
        %lt3A = arith.constant 1.000000e+02 : f32
        %lt3A_314 = vector.broadcast %lt3A : f32 to vector<16xf32>
        %lt3A_315 = arith.cmpf olt, %get3A_302, %lt3A_314 : vector<16xf32>
        %and3A = arith.andi %gt3A_313, %lt3A_315 : vector<16xi1>
        %broadcast_in_dim3A_316 = arith.constant 0.000000e+00 : f32
        %broadcast_in_dim3A_317 = vector.broadcast %broadcast_in_dim3A_316 : f32 to vector<16xf32>
        %select_n3A = arith.select %and3A, %div3A_311, %broadcast_in_dim3A_317 : vector<16xi1>, vector<16xf32>
        %select_n3A_318 = arith.select %and3A, %get3A_305, %broadcast_in_dim3A_317 : vector<16xi1>, vector<16xf32>
        %jit3A = arith.constant 0.000000e+00 : f32
        %broadcast_in_dim3A_319 = vector.broadcast %jit3A : f32 to vector<16xf32>
        %select_n3A_320 = arith.select %and3A, %sub3A_263, %broadcast_in_dim3A_319 : vector<16xi1>, vector<16xf32>
        %mul3A_321 = arith.mulf %max3A_261, %select_n3A_318 : vector<16xf32>
        %sub3A_322 = arith.subf %select_n3A, %mul3A_321 : vector<16xf32>
        %sub3A_323 = arith.subf %sub3A_322, %select_n3A_320 : vector<16xf32>
        %abs3A = math.absf %sub3A_323 : vector<16xf32>
        %add3A_324 = arith.addf %scan3A_294, %abs3A : vector<16xf32>
        %mul3A_325 = arith.constant 8 : i32
        %mul3A_326 = arith.muli %scan3A_293, %mul3A_325 : i32
        %add3A_327 = arith.constant 1 : i32
        %add3A_328 = arith.addi %mul3A_326, %add3A_327 : i32
        %mul3A_329 = arith.constant 16 : i32
        %mul3A_330 = arith.muli %add3A_328, %mul3A_329 : i32
        %get3A_331 = arith.index_cast %mul3A_330 : i32 to index
        %get3A_332 = tpu.vector_load %arg6[%get3A_331] {strides = array<i32>} : memref<8192xf32, #tpu.memory_space<vmem>>, vector<16xf32>,
        %get3A_333 = vector.shape_cast %get3A_332 : vector<16xf32> to vector<16xf32>
        %get3A_334 = arith.index_cast %mul3A_330 : i32 to index
        %get3A_335 = tpu.vector_load %arg7[%get3A_334] {strides = array<i32>} : memref<8192xf32, #tpu.memory_space<vmem>>, vector<16xf32>,
        %get3A_336 = vector.shape_cast %get3A_335 : vector<16xf32> to vector<16xf32>
        %max3A_337 = arith.constant 9.99999997E-7 : f32
        %max3A_338 = vector.broadcast %max3A_337 : f32 to vector<16xf32>
        %max3A_339 = arith.maximumf %get3A_333, %max3A_338 : vector<16xf32>
        %div3A_340 = arith.constant 1.000000e+00 : f32
        %div3A_341 = vector.broadcast %div3A_340 : f32 to vector<16xf32>
        %div3A_342 = arith.divf %div3A_341, %max3A_339 : vector<16xf32>
        %gt3A_343 = arith.constant 1.000000e-01 : f32
        %gt3A_344 = vector.broadcast %gt3A_343 : f32 to vector<16xf32>
        %gt3A_345 = arith.cmpf ogt, %get3A_333, %gt3A_344 : vector<16xf32>
        %lt3A_346 = arith.constant 1.000000e+02 : f32
        %lt3A_347 = vector.broadcast %lt3A_346 : f32 to vector<16xf32>
        %lt3A_348 = arith.cmpf olt, %get3A_333, %lt3A_347 : vector<16xf32>
        %and3A_349 = arith.andi %gt3A_345, %lt3A_348 : vector<16xi1>
        %broadcast_in_dim3A_350 = arith.constant 0.000000e+00 : f32
        %broadcast_in_dim3A_351 = vector.broadcast %broadcast_in_dim3A_350 : f32 to vector<16xf32>
        %select_n3A_352 = arith.select %and3A_349, %div3A_342, %broadcast_in_dim3A_351 : vector<16xi1>, vector<16xf32>
        %select_n3A_353 = arith.select %and3A_349, %get3A_336, %broadcast_in_dim3A_351 : vector<16xi1>, vector<16xf32>
        %jit3A_354 = arith.constant 0.000000e+00 : f32
        %broadcast_in_dim3A_355 = vector.broadcast %jit3A_354 : f32 to vector<16xf32>
        %select_n3A_356 = arith.select %and3A_349, %sub3A_263, %broadcast_in_dim3A_355 : vector<16xi1>, vector<16xf32>
        %mul3A_357 = arith.mulf %max3A_261, %select_n3A_353 : vector<16xf32>
        %sub3A_358 = arith.subf %select_n3A_352, %mul3A_357 : vector<16xf32>
        %sub3A_359 = arith.subf %sub3A_358, %select_n3A_356 : vector<16xf32>
        %abs3A_360 = math.absf %sub3A_359 : vector<16xf32>
        %add3A_361 = arith.addf %add3A_324, %abs3A_360 : vector<16xf32>
        %mul3A_362 = arith.constant 8 : i32
        %mul3A_363 = arith.muli %scan3A_293, %mul3A_362 : i32
        %add3A_364 = arith.constant 2 : i32
        %add3A_365 = arith.addi %mul3A_363, %add3A_364 : i32
        %mul3A_366 = arith.constant 16 : i32
        %mul3A_367 = arith.muli %add3A_365, %mul3A_366 : i32
        %get3A_368 = arith.index_cast %mul3A_367 : i32 to index
        %get3A_369 = tpu.vector_load %arg6[%get3A_368] {strides = array<i32>} : memref<8192xf32, #tpu.memory_space<vmem>>, vector<16xf32>,
        %get3A_370 = vector.shape_cast %get3A_369 : vector<16xf32> to vector<16xf32>
        %get3A_371 = arith.index_cast %mul3A_367 : i32 to index
        %get3A_372 = tpu.vector_load %arg7[%get3A_371] {strides = array<i32>} : memref<8192xf32, #tpu.memory_space<vmem>>, vector<16xf32>,
        %get3A_373 = vector.shape_cast %get3A_372 : vector<16xf32> to vector<16xf32>
        %max3A_374 = arith.constant 9.99999997E-7 : f32
        %max3A_375 = vector.broadcast %max3A_374 : f32 to vector<16xf32>
        %max3A_376 = arith.maximumf %get3A_370, %max3A_375 : vector<16xf32>
        %div3A_377 = arith.constant 1.000000e+00 : f32
        %div3A_378 = vector.broadcast %div3A_377 : f32 to vector<16xf32>
        %div3A_379 = arith.divf %div3A_378, %max3A_376 : vector<16xf32>
        %gt3A_380 = arith.constant 1.000000e-01 : f32
        %gt3A_381 = vector.broadcast %gt3A_380 : f32 to vector<16xf32>
        %gt3A_382 = arith.cmpf ogt, %get3A_370, %gt3A_381 : vector<16xf32>
        %lt3A_383 = arith.constant 1.000000e+02 : f32
        %lt3A_384 = vector.broadcast %lt3A_383 : f32 to vector<16xf32>
        %lt3A_385 = arith.cmpf olt, %get3A_370, %lt3A_384 : vector<16xf32>
        %and3A_386 = arith.andi %gt3A_382, %lt3A_385 : vector<16xi1>
        %broadcast_in_dim3A_387 = arith.constant 0.000000e+00 : f32
        %broadcast_in_dim3A_388 = vector.broadcast %broadcast_in_dim3A_387 : f32 to vector<16xf32>
        %select_n3A_389 = arith.select %and3A_386, %div3A_379, %broadcast_in_dim3A_388 : vector<16xi1>, vector<16xf32>
        %select_n3A_390 = arith.select %and3A_386, %get3A_373, %broadcast_in_dim3A_388 : vector<16xi1>, vector<16xf32>
        %jit3A_391 = arith.constant 0.000000e+00 : f32
        %broadcast_in_dim3A_392 = vector.broadcast %jit3A_391 : f32 to vector<16xf32>
        %select_n3A_393 = arith.select %and3A_386, %sub3A_263, %broadcast_in_dim3A_392 : vector<16xi1>, vector<16xf32>
        %mul3A_394 = arith.mulf %max3A_261, %select_n3A_390 : vector<16xf32>
        %sub3A_395 = arith.subf %select_n3A_389, %mul3A_394 : vector<16xf32>
        %sub3A_396 = arith.subf %sub3A_395, %select_n3A_393 : vector<16xf32>
        %abs3A_397 = math.absf %sub3A_396 : vector<16xf32>
        %add3A_398 = arith.addf %add3A_361, %abs3A_397 : vector<16xf32>
        %mul3A_399 = arith.constant 8 : i32
        %mul3A_400 = arith.muli %scan3A_293, %mul3A_399 : i32
        %add3A_401 = arith.constant 3 : i32
        %add3A_402 = arith.addi %mul3A_400, %add3A_401 : i32
        %mul3A_403 = arith.constant 16 : i32
        %mul3A_404 = arith.muli %add3A_402, %mul3A_403 : i32
        %get3A_405 = arith.index_cast %mul3A_404 : i32 to index
        %get3A_406 = tpu.vector_load %arg6[%get3A_405] {strides = array<i32>} : memref<8192xf32, #tpu.memory_space<vmem>>, vector<16xf32>,
        %get3A_407 = vector.shape_cast %get3A_406 : vector<16xf32> to vector<16xf32>
        %get3A_408 = arith.index_cast %mul3A_404 : i32 to index
        %get3A_409 = tpu.vector_load %arg7[%get3A_408] {strides = array<i32>} : memref<8192xf32, #tpu.memory_space<vmem>>, vector<16xf32>,
        %get3A_410 = vector.shape_cast %get3A_409 : vector<16xf32> to vector<16xf32>
        %max3A_411 = arith.constant 9.99999997E-7 : f32
        %max3A_412 = vector.broadcast %max3A_411 : f32 to vector<16xf32>
        %max3A_413 = arith.maximumf %get3A_407, %max3A_412 : vector<16xf32>
        %div3A_414 = arith.constant 1.000000e+00 : f32
        %div3A_415 = vector.broadcast %div3A_414 : f32 to vector<16xf32>
        %div3A_416 = arith.divf %div3A_415, %max3A_413 : vector<16xf32>
        %gt3A_417 = arith.constant 1.000000e-01 : f32
        %gt3A_418 = vector.broadcast %gt3A_417 : f32 to vector<16xf32>
        %gt3A_419 = arith.cmpf ogt, %get3A_407, %gt3A_418 : vector<16xf32>
        %lt3A_420 = arith.constant 1.000000e+02 : f32
        %lt3A_421 = vector.broadcast %lt3A_420 : f32 to vector<16xf32>
        %lt3A_422 = arith.cmpf olt, %get3A_407, %lt3A_421 : vector<16xf32>
        %and3A_423 = arith.andi %gt3A_419, %lt3A_422 : vector<16xi1>
        %broadcast_in_dim3A_424 = arith.constant 0.000000e+00 : f32
        %broadcast_in_dim3A_425 = vector.broadcast %broadcast_in_dim3A_424 : f32 to vector<16xf32>
        %select_n3A_426 = arith.select %and3A_423, %div3A_416, %broadcast_in_dim3A_425 : vector<16xi1>, vector<16xf32>
        %select_n3A_427 = arith.select %and3A_423, %get3A_410, %broadcast_in_dim3A_425 : vector<16xi1>, vector<16xf32>
        %jit3A_428 = arith.constant 0.000000e+00 : f32
        %broadcast_in_dim3A_429 = vector.broadcast %jit3A_428 : f32 to vector<16xf32>
        %select_n3A_430 = arith.select %and3A_423, %sub3A_263, %broadcast_in_dim3A_429 : vector<16xi1>, vector<16xf32>
        %mul3A_431 = arith.mulf %max3A_261, %select_n3A_427 : vector<16xf32>
        %sub3A_432 = arith.subf %select_n3A_426, %mul3A_431 : vector<16xf32>
        %sub3A_433 = arith.subf %sub3A_432, %select_n3A_430 : vector<16xf32>
        %abs3A_434 = math.absf %sub3A_433 : vector<16xf32>
        %add3A_435 = arith.addf %add3A_398, %abs3A_434 : vector<16xf32>
        %mul3A_436 = arith.constant 8 : i32
        %mul3A_437 = arith.muli %scan3A_293, %mul3A_436 : i32
        %add3A_438 = arith.constant 4 : i32
        %add3A_439 = arith.addi %mul3A_437, %add3A_438 : i32
        %mul3A_440 = arith.constant 16 : i32
        %mul3A_441 = arith.muli %add3A_439, %mul3A_440 : i32
        %get3A_442 = arith.index_cast %mul3A_441 : i32 to index
        %get3A_443 = tpu.vector_load %arg6[%get3A_442] {strides = array<i32>} : memref<8192xf32, #tpu.memory_space<vmem>>, vector<16xf32>,
        %get3A_444 = vector.shape_cast %get3A_443 : vector<16xf32> to vector<16xf32>
        %get3A_445 = arith.index_cast %mul3A_441 : i32 to index
        %get3A_446 = tpu.vector_load %arg7[%get3A_445] {strides = array<i32>} : memref<8192xf32, #tpu.memory_space<vmem>>, vector<16xf32>,
        %get3A_447 = vector.shape_cast %get3A_446 : vector<16xf32> to vector<16xf32>
        %max3A_448 = arith.constant 9.99999997E-7 : f32
        %max3A_449 = vector.broadcast %max3A_448 : f32 to vector<16xf32>
        %max3A_450 = arith.maximumf %get3A_444, %max3A_449 : vector<16xf32>
        %div3A_451 = arith.constant 1.000000e+00 : f32
        %div3A_452 = vector.broadcast %div3A_451 : f32 to vector<16xf32>
        %div3A_453 = arith.divf %div3A_452, %max3A_450 : vector<16xf32>
        %gt3A_454 = arith.constant 1.000000e-01 : f32
        %gt3A_455 = vector.broadcast %gt3A_454 : f32 to vector<16xf32>
        %gt3A_456 = arith.cmpf ogt, %get3A_444, %gt3A_455 : vector<16xf32>
        %lt3A_457 = arith.constant 1.000000e+02 : f32
        %lt3A_458 = vector.broadcast %lt3A_457 : f32 to vector<16xf32>
        %lt3A_459 = arith.cmpf olt, %get3A_444, %lt3A_458 : vector<16xf32>
        %and3A_460 = arith.andi %gt3A_456, %lt3A_459 : vector<16xi1>
        %broadcast_in_dim3A_461 = arith.constant 0.000000e+00 : f32
        %broadcast_in_dim3A_462 = vector.broadcast %broadcast_in_dim3A_461 : f32 to vector<16xf32>
        %select_n3A_463 = arith.select %and3A_460, %div3A_453, %broadcast_in_dim3A_462 : vector<16xi1>, vector<16xf32>
        %select_n3A_464 = arith.select %and3A_460, %get3A_447, %broadcast_in_dim3A_462 : vector<16xi1>, vector<16xf32>
        %jit3A_465 = arith.constant 0.000000e+00 : f32
        %broadcast_in_dim3A_466 = vector.broadcast %jit3A_465 : f32 to vector<16xf32>
        %select_n3A_467 = arith.select %and3A_460, %sub3A_263, %broadcast_in_dim3A_466 : vector<16xi1>, vector<16xf32>
        %mul3A_468 = arith.mulf %max3A_261, %select_n3A_464 : vector<16xf32>
        %sub3A_469 = arith.subf %select_n3A_463, %mul3A_468 : vector<16xf32>
        %sub3A_470 = arith.subf %sub3A_469, %select_n3A_467 : vector<16xf32>
        %abs3A_471 = math.absf %sub3A_470 : vector<16xf32>
        %add3A_472 = arith.addf %add3A_435, %abs3A_471 : vector<16xf32>
        %mul3A_473 = arith.constant 8 : i32
        %mul3A_474 = arith.muli %scan3A_293, %mul3A_473 : i32
        %add3A_475 = arith.constant 5 : i32
        %add3A_476 = arith.addi %mul3A_474, %add3A_475 : i32
        %mul3A_477 = arith.constant 16 : i32
        %mul3A_478 = arith.muli %add3A_476, %mul3A_477 : i32
        %get3A_479 = arith.index_cast %mul3A_478 : i32 to index
        %get3A_480 = tpu.vector_load %arg6[%get3A_479] {strides = array<i32>} : memref<8192xf32, #tpu.memory_space<vmem>>, vector<16xf32>,
        %get3A_481 = vector.shape_cast %get3A_480 : vector<16xf32> to vector<16xf32>
        %get3A_482 = arith.index_cast %mul3A_478 : i32 to index
        %get3A_483 = tpu.vector_load %arg7[%get3A_482] {strides = array<i32>} : memref<8192xf32, #tpu.memory_space<vmem>>, vector<16xf32>,
        %get3A_484 = vector.shape_cast %get3A_483 : vector<16xf32> to vector<16xf32>
        %max3A_485 = arith.constant 9.99999997E-7 : f32
        %max3A_486 = vector.broadcast %max3A_485 : f32 to vector<16xf32>
        %max3A_487 = arith.maximumf %get3A_481, %max3A_486 : vector<16xf32>
        %div3A_488 = arith.constant 1.000000e+00 : f32
        %div3A_489 = vector.broadcast %div3A_488 : f32 to vector<16xf32>
        %div3A_490 = arith.divf %div3A_489, %max3A_487 : vector<16xf32>
        %gt3A_491 = arith.constant 1.000000e-01 : f32
        %gt3A_492 = vector.broadcast %gt3A_491 : f32 to vector<16xf32>
        %gt3A_493 = arith.cmpf ogt, %get3A_481, %gt3A_492 : vector<16xf32>
        %lt3A_494 = arith.constant 1.000000e+02 : f32
        %lt3A_495 = vector.broadcast %lt3A_494 : f32 to vector<16xf32>
        %lt3A_496 = arith.cmpf olt, %get3A_481, %lt3A_495 : vector<16xf32>
        %and3A_497 = arith.andi %gt3A_493, %lt3A_496 : vector<16xi1>
        %broadcast_in_dim3A_498 = arith.constant 0.000000e+00 : f32
        %broadcast_in_dim3A_499 = vector.broadcast %broadcast_in_dim3A_498 : f32 to vector<16xf32>
        %select_n3A_500 = arith.select %and3A_497, %div3A_490, %broadcast_in_dim3A_499 : vector<16xi1>, vector<16xf32>
        %select_n3A_501 = arith.select %and3A_497, %get3A_484, %broadcast_in_dim3A_499 : vector<16xi1>, vector<16xf32>
        %jit3A_502 = arith.constant 0.000000e+00 : f32
        %broadcast_in_dim3A_503 = vector.broadcast %jit3A_502 : f32 to vector<16xf32>
        %select_n3A_504 = arith.select %and3A_497, %sub3A_263, %broadcast_in_dim3A_503 : vector<16xi1>, vector<16xf32>
        %mul3A_505 = arith.mulf %max3A_261, %select_n3A_501 : vector<16xf32>
        %sub3A_506 = arith.subf %select_n3A_500, %mul3A_505 : vector<16xf32>
        %sub3A_507 = arith.subf %sub3A_506, %select_n3A_504 : vector<16xf32>
        %abs3A_508 = math.absf %sub3A_507 : vector<16xf32>
        %add3A_509 = arith.addf %add3A_472, %abs3A_508 : vector<16xf32>
        %mul3A_510 = arith.constant 8 : i32
        %mul3A_511 = arith.muli %scan3A_293, %mul3A_510 : i32
        %add3A_512 = arith.constant 6 : i32
        %add3A_513 = arith.addi %mul3A_511, %add3A_512 : i32
        %mul3A_514 = arith.constant 16 : i32
        %mul3A_515 = arith.muli %add3A_513, %mul3A_514 : i32
        %get3A_516 = arith.index_cast %mul3A_515 : i32 to index
        %get3A_517 = tpu.vector_load %arg6[%get3A_516] {strides = array<i32>} : memref<8192xf32, #tpu.memory_space<vmem>>, vector<16xf32>,
        %get3A_518 = vector.shape_cast %get3A_517 : vector<16xf32> to vector<16xf32>
        %get3A_519 = arith.index_cast %mul3A_515 : i32 to index
        %get3A_520 = tpu.vector_load %arg7[%get3A_519] {strides = array<i32>} : memref<8192xf32, #tpu.memory_space<vmem>>, vector<16xf32>,
        %get3A_521 = vector.shape_cast %get3A_520 : vector<16xf32> to vector<16xf32>
        %max3A_522 = arith.constant 9.99999997E-7 : f32
        %max3A_523 = vector.broadcast %max3A_522 : f32 to vector<16xf32>
        %max3A_524 = arith.maximumf %get3A_518, %max3A_523 : vector<16xf32>
        %div3A_525 = arith.constant 1.000000e+00 : f32
        %div3A_526 = vector.broadcast %div3A_525 : f32 to vector<16xf32>
        %div3A_527 = arith.divf %div3A_526, %max3A_524 : vector<16xf32>
        %gt3A_528 = arith.constant 1.000000e-01 : f32
        %gt3A_529 = vector.broadcast %gt3A_528 : f32 to vector<16xf32>
        %gt3A_530 = arith.cmpf ogt, %get3A_518, %gt3A_529 : vector<16xf32>
        %lt3A_531 = arith.constant 1.000000e+02 : f32
        %lt3A_532 = vector.broadcast %lt3A_531 : f32 to vector<16xf32>
        %lt3A_533 = arith.cmpf olt, %get3A_518, %lt3A_532 : vector<16xf32>
        %and3A_534 = arith.andi %gt3A_530, %lt3A_533 : vector<16xi1>
        %broadcast_in_dim3A_535 = arith.constant 0.000000e+00 : f32
        %broadcast_in_dim3A_536 = vector.broadcast %broadcast_in_dim3A_535 : f32 to vector<16xf32>
        %select_n3A_537 = arith.select %and3A_534, %div3A_527, %broadcast_in_dim3A_536 : vector<16xi1>, vector<16xf32>
        %select_n3A_538 = arith.select %and3A_534, %get3A_521, %broadcast_in_dim3A_536 : vector<16xi1>, vector<16xf32>
        %jit3A_539 = arith.constant 0.000000e+00 : f32
        %broadcast_in_dim3A_540 = vector.broadcast %jit3A_539 : f32 to vector<16xf32>
        %select_n3A_541 = arith.select %and3A_534, %sub3A_263, %broadcast_in_dim3A_540 : vector<16xi1>, vector<16xf32>
        %mul3A_542 = arith.mulf %max3A_261, %select_n3A_538 : vector<16xf32>
        %sub3A_543 = arith.subf %select_n3A_537, %mul3A_542 : vector<16xf32>
        %sub3A_544 = arith.subf %sub3A_543, %select_n3A_541 : vector<16xf32>
        %abs3A_545 = math.absf %sub3A_544 : vector<16xf32>
        %add3A_546 = arith.addf %add3A_509, %abs3A_545 : vector<16xf32>
        %mul3A_547 = arith.constant 8 : i32
        %mul3A_548 = arith.muli %scan3A_293, %mul3A_547 : i32
        %add3A_549 = arith.constant 7 : i32
        %add3A_550 = arith.addi %mul3A_548, %add3A_549 : i32
        %mul3A_551 = arith.constant 16 : i32
        %mul3A_552 = arith.muli %add3A_550, %mul3A_551 : i32
        %get3A_553 = arith.index_cast %mul3A_552 : i32 to index
        %get3A_554 = tpu.vector_load %arg6[%get3A_553] {strides = array<i32>} : memref<8192xf32, #tpu.memory_space<vmem>>, vector<16xf32>,
        %get3A_555 = vector.shape_cast %get3A_554 : vector<16xf32> to vector<16xf32>
        %get3A_556 = arith.index_cast %mul3A_552 : i32 to index
        %get3A_557 = tpu.vector_load %arg7[%get3A_556] {strides = array<i32>} : memref<8192xf32, #tpu.memory_space<vmem>>, vector<16xf32>,
        %get3A_558 = vector.shape_cast %get3A_557 : vector<16xf32> to vector<16xf32>
        %max3A_559 = arith.constant 9.99999997E-7 : f32
        %max3A_560 = vector.broadcast %max3A_559 : f32 to vector<16xf32>
        %max3A_561 = arith.maximumf %get3A_555, %max3A_560 : vector<16xf32>
        %div3A_562 = arith.constant 1.000000e+00 : f32
        %div3A_563 = vector.broadcast %div3A_562 : f32 to vector<16xf32>
        %div3A_564 = arith.divf %div3A_563, %max3A_561 : vector<16xf32>
        %gt3A_565 = arith.constant 1.000000e-01 : f32
        %gt3A_566 = vector.broadcast %gt3A_565 : f32 to vector<16xf32>
        %gt3A_567 = arith.cmpf ogt, %get3A_555, %gt3A_566 : vector<16xf32>
        %lt3A_568 = arith.constant 1.000000e+02 : f32
        %lt3A_569 = vector.broadcast %lt3A_568 : f32 to vector<16xf32>
        %lt3A_570 = arith.cmpf olt, %get3A_555, %lt3A_569 : vector<16xf32>
        %and3A_571 = arith.andi %gt3A_567, %lt3A_570 : vector<16xi1>
        %broadcast_in_dim3A_572 = arith.constant 0.000000e+00 : f32
        %broadcast_in_dim3A_573 = vector.broadcast %broadcast_in_dim3A_572 : f32 to vector<16xf32>
        %select_n3A_574 = arith.select %and3A_571, %div3A_564, %broadcast_in_dim3A_573 : vector<16xi1>, vector<16xf32>
        %select_n3A_575 = arith.select %and3A_571, %get3A_558, %broadcast_in_dim3A_573 : vector<16xi1>, vector<16xf32>
        %jit3A_576 = arith.constant 0.000000e+00 : f32
        %broadcast_in_dim3A_577 = vector.broadcast %jit3A_576 : f32 to vector<16xf32>
        %select_n3A_578 = arith.select %and3A_571, %sub3A_263, %broadcast_in_dim3A_577 : vector<16xi1>, vector<16xf32>
        %mul3A_579 = arith.mulf %max3A_261, %select_n3A_575 : vector<16xf32>
        %sub3A_580 = arith.subf %select_n3A_574, %mul3A_579 : vector<16xf32>
        %sub3A_581 = arith.subf %sub3A_580, %select_n3A_578 : vector<16xf32>
        %abs3A_582 = math.absf %sub3A_581 : vector<16xf32>
        %add3A_583 = arith.addf %add3A_546, %abs3A_582 : vector<16xf32>
        scf.yield %add3A_583 : vector<16xf32>
      }
      %scan3A_292 = arith.constant 64 : i32
      scf.yield %scan3A_291 : vector<16xf32>
    }
    %scan3A_269 = arith.constant 8 : i32
    %div3A_270 = arith.divf %scan3A_268, %max3A_248 : vector<16xf32>
    %swap3A = arith.constant 0 : index
    %swap3A_271 = tpu.vector_load %arg9[%swap3A] {strides = array<i32>} : memref<16xf32, #tpu.memory_space<vmem>>, vector<16xf32>,
    %swap3A_272 = vector.shape_cast %swap3A_271 : vector<16xf32> to vector<16xf32>
    %swap3A_273 = vector.shape_cast %div3A_270 : vector<16xf32> to vector<16xf32>
    tpu.vector_store %arg9[%swap3A], %swap3A_273 {strides = array<i32>} : memref<16xf32, #tpu.memory_space<vmem>>, vector<16xf32>,
    %mul3A_274 = arith.constant 2 : i32
    %mul3A_275 = arith.muli %arg1, %mul3A_274 : i32
    %add3A_276 = arith.addi %mul3A_275, %arg0 : i32
    %mul3A_277 = arith.constant 16 : i32
    %mul3A_278 = arith.muli %add3A_276, %mul3A_277 : i32
    "tpu.region"() ({
      %run_scoped3A = tpu.sem_alloc : memref<!tpu.dma_semaphore, #tpu.memory_space<semaphore_mem>>
      %dma_start3A = tpu.memref_slice %arg5[%mul3A_278] : memref<512xf32, #tpu.memory_space<hbm>> -> memref<16xf32, #tpu.memory_space<hbm>>
      %dma_start3A_279 = tpu.memref_slice %arg5[%mul3A_278] : memref<512xf32, #tpu.memory_space<hbm>> -> memref<16xf32, #tpu.memory_space<hbm>>
      tpu.enqueue_dma source(%arg9 : memref<16xf32, #tpu.memory_space<vmem>>) target(%dma_start3A_279 : memref<16xf32, #tpu.memory_space<hbm>>) target_semaphore(%run_scoped3A : memref<!tpu.dma_semaphore, #tpu.memory_space<semaphore_mem>>)
      %dma_wait3A = tpu.memref_slice %arg5[%mul3A_278] : memref<512xf32, #tpu.memory_space<hbm>> -> memref<16xf32, #tpu.memory_space<hbm>>
      %dma_wait3A_280 = tpu.memref_slice %arg5[%mul3A_278] : memref<512xf32, #tpu.memory_space<hbm>> -> memref<16xf32, #tpu.memory_space<hbm>>
      tpu.wait_dma2 semaphore(%run_scoped3A : memref<!tpu.dma_semaphore, #tpu.memory_space<semaphore_mem>>) src(%arg9 : memref<16xf32, #tpu.memory_space<vmem>>) dst(%dma_wait3A_280 : memref<16xf32, #tpu.memory_space<hbm>>)
      tpu.yield
    }) : () -> ()
    return
  }
}

</mosaic_0001>

<sc_bundles>
// kernel: kernel.4.cloned.1.call-start
scs
__scs_entry_jumppad:
0x0: {  	(pc) =	sbr.rel $0x88, $3  }
0x1: {  	(tag) =	ssettag $0x0;
	lr =	simm.s32 $0x1  }
0x2: {  	[smem:$0x3F9F] =	sst lr;
	_ =	strace $0xD0000000  }
0x3: {  	_ = 	snop  }
0x4: {  	_ = 	snop  }
0x5: {  	_ = 	snop  }
0x6: {  	_ = 	snop  }
0x7: {  	_ = 	snop  }
__scs_overlays_trampoline_lowered:
0x8: {  	[smem:$0x3FAE] =	sst s0  }
0x9: {  	[smem:$0x3FAF] =	sst s1  }
0xa: {  	[smem:$0x3FB0] =	sst s2  }
0xb: {  	[smem:$0x3FB1] =	sst s3  }
0xc: {  	[smem:$0x3FB2] =	sst s4  }
0xd: {  	[smem:$0x3FB3] =	sst s5  }
0xe: {  	[smem:$0x3FB4] =	sst s6  }
0xf: {  	[smem:$0x3FB5] =	sst s7  }
0x10: {  	[smem:$0x3FB6] =	sst s8  }
0x11: {  	[smem:$0x3FB7] =	sst s9;
	s0 =	simm.s32 @!p0 $0x0  }
0x12: {  	s1 =	sld [smem:$0x3F9D];
	s0 =	simm.s32 @p0 $0x1  }
0x13: {  	[smem:$0x3FB8] =	sst s0;
	s0 =	simm.s32 @!p1 $0x0  }
0x14: {  	s2 =	sld [smem:$0x3F9C];
	s0 =	simm.s32 @p1 $0x1  }
0x15: {  	[smem:$0x3FB9] =	sst s0;
	s0 =	simm.s32 @!p2 $0x0  }
0x16: {  	s3 =	sld [smem:$0x3FDB];
	s0 =	simm.s32 @p2 $0x1  }
0x17: {  	s4 =	simm.s32 $0x1BF5;
	[smem:$0x3FBB] =	sst s0  }
0x18: {  	s0 =	sld [smem:$0x3F9E];
	_ =	swait.ge [sflag:s4], $0x0  }
0x19: {  	s7 =	sld [smem:$0x3F9F]  }
0x1a: {  	s8 =	sadd.s32 $0xFFFFE003, lr  }
0x1b: {  	s9 =	sadd.s32 $0xFFFFFEF7, lr;
	s5 =	simm.s32 $0xFFFFFFFF;
	p2 =	slt.u32 s8, $0xFFFFF086  }
0x1c: {  	p1 =	slt.u32 s9, $0xF7A;
	s5 =	simm.s32 @!p2 $0x0  }
0x1d: {  	s5 =	simm.s32 @p1 $0x1;
	p0 =	seq.s32 s7, s2  }
0x1e: {  	s7 =	smul.u32 @!p0 $0xF7A, s2;
	p2 =	seq.s32 @!p0 s5, $0x0  }
0x1f: {  	s9 =	smul.u32 $0xF7A, s1;
	s8 =	simm.s32 @!p0 $0x1BF5;
	p2 =	por !p2, p0  }
0x20: {  	[sflag:s8] =	ssyncset.s32 @!p0 $0xFFFFF086;
	s6 =	sadd.s32 @!p0 s3, s7;
	s7 =	simm.s32 @!p0 $0x108  }
0x21: {  	s3 =	sadd.s32 s3, s9;
	s6 =	sadd.s32 @!p0 $0x88, s6;
	s7 =	simm.s32 @p2 $0x1082  }
0x22: {  	[simem:s7], [sflag:s8] =	dma.local @!p0 [hbm:s6], $0xF7A  }
0x23: {  	s9 =	sor.u32 $0xD0000000, s2;
	s6 =	simm.s32 $0x108;
	_ =	swait.ge @!p0 [sflag:s8], $0x0  }
0x24: {  	s3 =	sadd.s32 $0x88, s3;
	s6 =	simm.s32 @!p1 $0x1082;
	[sflag:s4] =	ssyncset.s32 $0xFFFFF086  }
0x25: {  	[simem:s6], [sflag:s4] =	dma.local [hbm:s3], $0xF7A  }
0x26: {  	[smem:$0x3F9F] =	sst s1;
	(tag) =	ssettag s2;
	_ =	strace s9  }
0x27: {  	s1 =	sld [smem:$0x3FAF]  }
0x28: {  	s2 =	sld [smem:$0x3FB0]  }
0x29: {  	s4 =	sld [smem:$0x3FB2]  }
0x2a: {  	p0 =	seq.s32 s5, $0x0;
	s5 =	sld [smem:$0x3FB3]  }
0x2b: {  	s6 =	sld [smem:$0x3FB4]  }
0x2c: {  	s7 =	sld [smem:$0x3FB5]  }
0x2d: {  	s3 =	simm.s32 $0x108;
	s8 =	sld [smem:$0x3FB6]  }
0x2e: {  	s3 =	simm.s32 @!p0 $0x1082;
	s9 =	sld [smem:$0x3FB7]  }
0x2f: {  	lr =	sadd.s32 s0, s3;
	s0 =	sld [smem:$0x3FAE]  }
0x30: {  	s3 =	sld [smem:$0x3FB1]  }
0x31: {  	[smem:$0x3FBA] =	sst s10  }
0x32: {  	s10 =	sld [smem:$0x3FB8];
	_ =	sdelay $0x3  }
0x33: {  	p0 =	seq.s32 s10, $0x1;
	s10 =	sld [smem:$0x3FBA];
	_ =	sdelay $0x3  }
0x34: {  	[smem:$0x3FBA] =	sst s10  }
0x35: {  	s10 =	sld [smem:$0x3FB9];
	_ =	sdelay $0x3  }
0x36: {  	p1 =	seq.s32 s10, $0x1;
	s10 =	sld [smem:$0x3FBA];
	_ =	sdelay $0x3  }
0x37: {  	[smem:$0x3FBA] =	sst s10  }
0x38: {  	s10 =	sld [smem:$0x3FBB]  }
0x39: {  	_ = 	snop;
	(pc) =	sbr.ind lr, $3  }
0x3a: {  	_ = 	snop  }
0x3b: {  	_ = 	snop  }
0x3c: {  	p2 =	seq.s32 s10, $0x1;
	s10 =	sld [smem:$0x3FBA]  }
0x3d: {  	_ =	shalt  }
0x3e: {  	_ =	shalt  }
0x3f: {  	_ =	shalt  }
0x40: {  	_ =	shalt  }
0x41: {  	_ =	shalt  }
0x42: {  	_ =	shalt  }
0x43: {  	_ =	shalt  }
0x44: {  	_ =	shalt  }
0x45: {  	_ =	shalt  }
0x46: {  	_ =	shalt  }
0x47: {  	_ =	shalt  }
0x48: {  	_ =	shalt  }
0x49: {  	_ =	shalt  }
0x4a: {  	_ =	shalt  }
0x4b: {  	_ =	shalt  }
0x4c: {  	_ =	shalt  }
0x4d: {  	_ =	shalt  }
0x4e: {  	_ =	shalt  }
0x4f: {  	_ =	shalt  }
0x50: {  	_ =	shalt  }
0x51: {  	_ =	shalt  }
0x52: {  	_ =	shalt  }
0x53: {  	_ =	shalt  }
0x54: {  	_ =	shalt  }
0x55: {  	_ =	shalt  }
0x56: {  	_ =	shalt  }
0x57: {  	_ =	shalt  }
0x58: {  	_ =	shalt  }
0x59: {  	_ =	shalt  }
0x5a: {  	_ =	shalt  }
0x5b: {  	_ =	shalt  }
0x5c: {  	_ =	shalt  }
0x5d: {  	_ =	shalt  }
0x5e: {  	_ =	shalt  }
0x5f: {  	_ =	shalt  }
0x60: {  	_ =	shalt  }
0x61: {  	_ =	shalt  }
0x62: {  	_ =	shalt  }
0x63: {  	_ =	shalt  }
0x64: {  	_ =	shalt  }
0x65: {  	_ =	shalt  }
0x66: {  	_ =	shalt  }
0x67: {  	_ =	shalt  }
0x68: {  	_ =	shalt  }
0x69: {  	_ =	shalt  }
0x6a: {  	_ =	shalt  }
0x6b: {  	_ =	shalt  }
0x6c: {  	_ =	shalt  }
0x6d: {  	_ =	shalt  }
0x6e: {  	_ =	shalt  }
0x6f: {  	_ =	shalt  }
0x70: {  	_ =	shalt  }
0x71: {  	_ =	shalt  }
0x72: {  	_ =	shalt  }
0x73: {  	_ =	shalt  }
0x74: {  	_ =	shalt  }
0x75: {  	_ =	shalt  }
0x76: {  	_ =	shalt  }
0x77: {  	_ =	shalt  }
0x78: {  	_ =	shalt  }
0x79: {  	_ =	shalt  }
0x7a: {  	_ =	shalt  }
0x7b: {  	_ =	shalt  }
0x7c: {  	_ =	shalt  }
0x7d: {  	_ =	shalt  }
0x7e: {  	_ =	shalt  }
0x7f: {  	_ =	shalt  }
0x80: {  	_ =	shalt  }
0x81: {  	_ =	shalt  }
0x82: {  	_ =	shalt  }
0x83: {  	_ =	shalt  }
0x84: {  	_ =	shalt  }
0x85: {  	_ =	shalt  }
0x86: {  	_ =	shalt  }
0x87: {  	_ =	shalt  }
.Lfunc_end0:
.L_simem_size_0:
called_computation_lowered:
.L_overlay_start_0:
0x88: {  	s2 =	sld [smem:$0x3FD9]  }
0x89: {  	s3 =	sld [smem:$0x3FFE];
	_ =	sdelay $0x1  }
0x8a: {  	s1 =	srdreg.scid  }
0x8b: {  	s0 =	sand.u32 $0x1, s1  }
0x8c: {  	s16 =	sshll.u32 s0, $0xA;
	s2 =	sadd.s32 s3, s2  }
0x8d: {  	s2 =	sadd.s32 s2, s16  }
0x8e: {  	[smem:$0x3FC6] =	sst s2  }
0x8f: {  	_ = 	snop  }
0x90: {  	(tm) =	ssettm $0x1  }
0x91: {  	s17 =	sld [smem:$0x3FFB];
	_ =	sdelay $0x3  }
0x92: {  	_ =	strace s17  }
0x93: {  	s2 =	sld [smem:$0x3FFC];
	_ =	sdelay $0x3  }
0x94: {  	_ =	strace s2  }
0x95: {  	s2 =	sld [smem:$0x3FFD];
	_ =	sdelay $0x3  }
0x96: {  	_ =	strace s2  }
0x97: {  	_ =	strace $0x8FFFFFFF  }
0x98: {  	s18 =	sld [smem:$0x3FDB];
	_ =	sdelay $0x1  }
0x99: {  	s19 =	simm.s32 $_scs_section_size  }
0x9a: {  	s4 =	simm.s32 $_size__tile_overlayer_lowered;
	s5 =	simm.s32 $_tile_overlayer_lowered  }
0x9b: {  	s22 =	simm.s32 $0x1BFF;
	s21 =	sshll.u32 s5, $0x1;
	s2 =	sadd.s32 s19, s18  }
0x9c: {  	s6 =	simm.s32 $0x0;
	s20 =	sshll.u32 s4, $0x1;
	s4 =	sadd.s32 s21, s2  }
0x9d: {  	[timem:s6], [sflag:s22] =	dma.local [hbm:s4], s20  }
0x9e: {  	_ =	swait.ge [sflag:s22], s20  }
0x9f: {  	s3 =	ssub.s32 $0x0, s20;
	[sflag:s22] =	ssyncset.done $0x0  }
0xa0: {  	[sflag:s22] =	ssyncadd.s32 s3;
	_ =	sdelay $0x1  }
0xa1: {  	s23 =	simm.s32 $0x1B8B  }
0xa2: {  	_ =	swait.ge [sflag:s23], $0x1  }
0xa3: {  	[sflag:s23] =	ssyncset.done $0x0  }
0xa4: {  	s25 =	simm.s32 $0x1B8E;
	s24 =	sld [smem:$0x3FFE];
	[sflag:s23] =	ssyncadd.s32 $0xFFFFFFFF  }
0xa5: {  	s26 =	simm.s32 $execute0_lowered;
	[smem:$0x3FD2] =	sst s25  }
0xa6: {  	s4 =	sshll.u32 s26, $0x1;
	_ =	strace $0x80000046;
	[dreg:$0x1] =	wrdreg $0xFFFFFFFF  }
0xa7: {  	s28 =	simm.s32 $_size_execute0_lowered;
	s2 =	sadd.s32 s2, s4;
	[dreg:$0x0] =	wrdreg $0x0  }
0xa8: {  	s4 =	sshll.u32 s28, $0x1;
	[dreg:$0x2] =	wrdreg s2  }
0xa9: {  	[dreg:$0x3] =	wrdreg s4  }
0xaa: {  	[dreg:$0x4] =	wrdreg $0xC0  }
0xab: {  	_ =	task [dreg:s6], $0x5FFFF  }
0xac: {  	[dreg:$0x1] =	wrdreg $0xFFFFFFFF  }
0xad: {  	[dreg:$0x0] =	wrdreg $0x60  }
0xae: {  	[dreg:$0x2] =	wrdreg s24  }
0xaf: {  	[dreg:$0x3] =	wrdreg $0x9  }
0xb0: {  	_ =	task.clear_ibuf [dreg:s6], $0x4FFFF;
	_ =	strace $0x90000046  }
0xb1: {  	s29 =	simm.s32 $0x9;
	_ =	strace $0x80000048  }
0xb2: {  	_ =	swait.ge [sflag:s29], $0x1  }
0xb3: {  	[sflag:s29] =	ssyncadd.s32 $0xFFFFFFFF  }
0xb4: {  	_ =	strace $0x90000048  }
0xb5: {  	_ =	sfence  }
0xb6: {  	s30 =	sld [smem:$0x0];
	_ =	sdelay $0x2  }
0xb7: {  	s31 =	sshll.u32 s1, $0xD;
	s1 =	sshrl.u32 s1, $0x2  }
0xb8: {  	s3 =	sand.u32 $0x4000, s31;
	s1 =	sadd.s32 s1, s30  }
0xb9: {  	s0 =	sor.u32 s3, s0;
	s1 =	sshll.u32 s1, $0x11  }
0xba: {  	s0 =	sor.u32 s1, s0  }
0xbb: {  	s0 =	sadd.s32 $0x8F2B, s0  }
0xbc: {  	[sflag:s0] =	ssyncadd.remote.s32 $0x1  }
0xbd: {  	_ =	sfence.sel $0xFFFF  }
0xbe: {  	[dreg:$0x0] =	wrdreg $0xFFFFFFFF;
	(pc) =	sbr.abs _section_cstart, $3  }
0xbf: {  	[dreg:$0x1] =	wrdreg $0xFFFFFFFF  }
0xc0: {  	_ =	task.clear_ibuf [dreg:s6], $0x2FFFF;
	_ =	strace $0x9FFFFFFF  }
0xc1: {  	(tm) =	ssettm $0x7FFFFFFF  }
tec
execute0_lowered:
.L_overlay_start_1:
0x0: {  	(tag) =	ssettag $0x1  }
0x1: {  	s5 =	rddreg [dreg:$0x0]  }
0x2: {  	s0 =	rddreg [dreg:$0x1]  }
0x3: {  	s3 =	srdreg.scid;
	s1 =	stileid.u32  }
0x4: {  	s2 =	simm.s32 $0x0;
	s10 =	simm.s32 $0x4000;
	s11 =	simm.s32 $0x0  }
0x5: {  	s15 =	simm.s32 $0x0;
	s3 =	sand.u32 $0x1, s3;
	s4 =	sshll.u32 s1, $0x1  }
0x6: {  	[smem:$0x7FF] =	sst s2;
	s6 =	sor.u32 s3, s4;
	s8 =	ssub.s32 $0x2, s3  }
0x7: {  	_ =	strace $0x80000047;
	s7 =	smul.u32 $0xA, s6;
	s9 =	sshrl.u32 s8, $0x1  }
0x8: {  	s3 =	sadd.s32 $0x600, s5;
	s4 =	sadd.s32 $0x40600, s5;
	s8 =	ssub.s32 s8, s9  }
0x9: {  	s9 =	simm.s32 $0x2000;
	s7 =	sadd.s32 s7, s5;
	s5 =	sshll.u32 s6, $0xD  }
0xa: {  	v0 =	vimm.f32 $0.0e+00;
	s6 =	sadd.s32 $0x80600, s7;
	s7 =	smax.u32 s8, $0x1;
	s8 =	simm.s32 $0x1  }
.LBB2_1:
0xb: {  	v1 =	vimm.f32 $0.0e+00;
	v2 =	vimm.f32 $0.0e+00  }
0xc: {  	v3 =	vimm.f32 $0.0e+00;
	v4 =	vimm.f32 $0.0e+00;
	v5 =	vimm.f32 $0.0e+00;
	s12 =	simm.s32 $0x0  }
.LBB2_2:
0xd: {  	s13 =	sshll.u32 s12, $0xA  }
0xe: {  	s13 =	sadd.s32 s5, s13  }
0xf: {  	s14 =	sadd.s32 s3, s13  }
0x10: {  	[tilespmem:s15], [sflag:$0x1] =	stream.linear.gather [hbm4b:s14+s15], $0x2000, $0x38;
	[tilespmem:$0x4080] =	vst v63  }
0x11: {  	_ =	swait.ge [sflag:s8], $0x2000  }
0x12: {  	[sflag:s8] =	ssyncset.done $0x0  }
0x13: {  	s13 =	sadd.s32 s4, s13;
	[sflag:s8] =	ssyncadd.s32 $0xFFFFE000  }
0x14: {  	[tilespmem:s9], [sflag:$0x1] =	stream.linear.gather [hbm4b:s13+s15], $0x2000, $0x38;
	[tilespmem:$0x4080] =	vst v63  }
0x15: {  	_ =	swait.ge [sflag:s8], $0x2000  }
0x16: {  	[sflag:s8] =	ssyncset.done $0x0  }
0x17: {  	s14 =	simm.s32 $0x0;
	[sflag:s8] =	ssyncadd.s32 $0xFFFFE000  }
0x18: {  	v10 =	vld [tilespmem:s14+$0x70]  }
0x19: {  	v11 =	vld [tilespmem:s14+$0x60]  }
0x1a: {  	v14 =	vld [tilespmem:s14+$0x50]  }
0x1b: {  	v15 =	vld [tilespmem:s14+$0x40]  }
0x1c: {  	v6 =	vld [tilespmem:s14+$0x30]  }
0x1d: {  	v7 =	vld [tilespmem:s14+$0x20]  }
0x1e: {  	v8 =	vld [tilespmem:s14+$0x10];
	vm0 =	vgt.f32 v10, $1.000000010e-01;
	vm9 =	vlt.f32 v10, $1.000000000e+02  }
0x1f: {  	v9 =	vld [tilespmem:s14+$0x0];
	vm4 =	vgt.f32 v14, $1.000000010e-01;
	vm2 =	vgt.f32 v11, $1.000000010e-01;
	vm8 =	vlt.f32 v11, $1.000000000e+02  }
0x20: {  	vm1 =	vgt.f32 v15, $1.000000010e-01;
	vm3 =	vlt.f32 v15, $1.000000000e+02;
	vm7 =	vlt.f32 v14, $1.000000000e+02  }
0x21: {  	vm5 =	vgt.f32 v6, $1.000000010e-01;
	vm6 =	vlt.f32 v6, $1.000000000e+02;
	v13 =	vmax.f32 v10, $9.999999970e-07  }
0x22: {  	vm11 =	vgt.f32 v7, $1.000000010e-01;
	vm12 =	vlt.f32 v7, $1.000000000e+02;
	v12 =	vmax.f32 v11, $9.999999970e-07  }
0x23: {  	vm13 =	vgt.f32 v8, $1.000000010e-01;
	vm14 =	vlt.f32 v8, $1.000000000e+02;
	v11 =	vmax.f32 v14, $9.999999970e-07  }
0x24: {  	s13 =	simm.s32 $0x200;
	vm10 =	vgt.f32 v9, $1.000000010e-01;
	vm15 =	vlt.f32 v9, $1.000000000e+02;
	v10 =	vmax.f32 v15, $9.999999970e-07  }
.LBB2_3:
0x25: {  	p0 =	sne.s32 s13, $0x7E00;
	v8 =	vmax.f32 v8, $9.999999970e-07;
	v7 =	vmax.f32 v7, $9.999999970e-07;
	v6 =	vmax.f32 v6, $9.999999970e-07  }
0x26: {  	v9 =	vmax.f32 v9, $9.999999970e-07;
	vm10 =	vmand vm10, vm15;
	(erf) = vrcp.f32 v13  }
0x27: {  	vm0 =	vmand vm0, vm9;
	v13 =	vsel vm10, $0x3F800000, v0;
	v14 =	vld [tilespmem:s14+$0x2070];
	(erf) = vrcp.f32 v12  }
0x28: {  	vm9 =	vmand vm13, vm14;
	v5 =	vadd.f32 v13, v5;
	v12 =	vld [tilespmem:s14+$0x2060];
	(erf) = vrcp.f32 v11  }
0x29: {  	vm2 =	vmand vm2, vm8;
	v11 =	vsel vm9, $0x3F800000, v0;
	v13 =	vld [tilespmem:s14+$0x2050];
	(erf) = vrcp.f32 v10  }
0x2a: {  	vm8 =	vmand vm11, vm12;
	v5 =	vadd.f32 v11, v5;
	v10 =	vld [tilespmem:s14+$0x2040];
	(erf) = vrcp.f32 v6  }
0x2b: {  	vm4 =	vmand vm4, vm7;
	v6 =	vsel vm8, $0x3F800000, v0;
	v11 =	vld [tilespmem:s14+$0x2030];
	(erf) = vrcp.f32 v9  }
0x2c: {  	vm5 =	vmand vm5, vm6;
	v5 =	vadd.f32 v6, v5;
	v9 =	vld [tilespmem:s14+$0x2020];
	(erf) = vrcp.f32 v7  }
0x2d: {  	vm1 =	vmand vm1, vm3;
	v7 =	vsel vm5, $0x3F800000, v0;
	v6 =	vld [tilespmem:s14+$0x2010];
	(erf) = vrcp.f32 v8  }
0x2e: {  	v15 =	vsel vm0, $0x3F800000, v0;
	v5 =	vadd.f32 v7, v5;
	v7 =	vsel vm2, $0x3F800000, v0;
	v8 =	vld [tilespmem:s14+$0x2000]  }
0x2f: {  	v20 =	vsel vm1, $0x3F800000, v0;
	v17 =	vsel vm4, $0x3F800000, v0;
	v14 =	vnsel vm0, $0x0, v14;
	v18 =	vpop (erf)  }
0x30: {  	v12 =	vnsel vm2, $0x0, v12;
	v13 =	vnsel vm4, $0x0, v13;
	v5 =	vadd.f32 v20, v5;
	v16 =	vpop (erf)  }
0x31: {  	v10 =	vnsel vm1, $0x0, v10;
	v11 =	vnsel vm5, $0x0, v11;
	v9 =	vnsel vm8, $0x0, v9;
	v19 =	vpop (erf)  }
0x32: {  	v5 =	vadd.f32 v17, v5;
	v17 =	vmul.f32 v14, v14;
	v6 =	vnsel vm9, $0x0, v6;
	v20 =	vpop (erf)  }
0x33: {  	v22 =	vmul.f32 v12, v12;
	v21 =	vmul.f32 v13, v13;
	v8 =	vnsel vm10, $0x0, v8;
	v23 =	vpop (erf)  }
0x34: {  	v25 =	vmul.f32 v10, v10;
	v24 =	vmul.f32 v11, v11;
	v5 =	vadd.f32 v7, v5;
	v7 =	vpop (erf)  }
0x35: {  	v27 =	vmul.f32 v9, v9;
	v26 =	vmul.f32 v6, v6;
	v7 =	vnsel vm10, $0x0, v7;
	v28 =	vpop (erf)  }
0x36: {  	v30 =	vmul.f32 v8, v8;
	v5 =	vadd.f32 v15, v5;
	v29 =	vmul.f32 v8, v7;
	v15 =	vpop (erf)  }
0x37: {  	v3 =	vadd.f32 v8, v3;
	v4 =	vadd.f32 v7, v4;
	v7 =	vnsel vm9, $0x0, v15  }
0x38: {  	v1 =	vadd.f32 v30, v1;
	v2 =	vadd.f32 v29, v2;
	v8 =	vmul.f32 v6, v7  }
0x39: {  	v3 =	vadd.f32 v6, v3;
	v4 =	vadd.f32 v7, v4;
	v6 =	vnsel vm8, $0x0, v28  }
0x3a: {  	v1 =	vadd.f32 v26, v1;
	v7 =	vmul.f32 v9, v6;
	v2 =	vadd.f32 v8, v2  }
0x3b: {  	v3 =	vadd.f32 v9, v3;
	v4 =	vadd.f32 v6, v4;
	v6 =	vnsel vm5, $0x0, v23  }
0x3c: {  	v1 =	vadd.f32 v27, v1;
	v2 =	vadd.f32 v7, v2;
	v7 =	vmul.f32 v11, v6  }
0x3d: {  	v3 =	vadd.f32 v11, v3;
	v4 =	vadd.f32 v6, v4;
	v6 =	vnsel vm1, $0x0, v20  }
0x3e: {  	v1 =	vadd.f32 v24, v1;
	v2 =	vadd.f32 v7, v2;
	v7 =	vmul.f32 v10, v6  }
0x3f: {  	s14 =	sshra.s32 s13, $0x2;
	v3 =	vadd.f32 v10, v3;
	v4 =	vadd.f32 v6, v4;
	v6 =	vnsel vm4, $0x0, v19  }
0x40: {  	v1 =	vadd.f32 v25, v1;
	v10 =	vld [tilespmem:s14+$0x70];
	v2 =	vadd.f32 v7, v2;
	v7 =	vmul.f32 v13, v6  }
0x41: {  	v3 =	vadd.f32 v13, v3;
	v4 =	vadd.f32 v6, v4;
	v6 =	vnsel vm2, $0x0, v16;
	v11 =	vld [tilespmem:s14+$0x60]  }
0x42: {  	v1 =	vadd.f32 v21, v1;
	v15 =	vld [tilespmem:s14+$0x50];
	v2 =	vadd.f32 v7, v2;
	v7 =	vmul.f32 v12, v6  }
0x43: {  	v8 =	vnsel vm0, $0x0, v18;
	v3 =	vadd.f32 v12, v3;
	v4 =	vadd.f32 v6, v4;
	v16 =	vld [tilespmem:s14+$0x40]  }
0x44: {  	v9 =	vmul.f32 v14, v8;
	v1 =	vadd.f32 v22, v1;
	v6 =	vld [tilespmem:s14+$0x30];
	v2 =	vadd.f32 v7, v2  }
0x45: {  	v3 =	vadd.f32 v14, v3;
	v4 =	vadd.f32 v8, v4;
	v7 =	vld [tilespmem:s14+$0x20];
	vm0 =	vgt.f32 v10, $1.000000010e-01  }
0x46: {  	v1 =	vadd.f32 v17, v1;
	vm9 =	vlt.f32 v10, $1.000000000e+02;
	v8 =	vld [tilespmem:s14+$0x10];
	v2 =	vadd.f32 v9, v2  }
0x47: {  	vm2 =	vgt.f32 v11, $1.000000010e-01;
	vm8 =	vlt.f32 v11, $1.000000000e+02;
	v9 =	vld [tilespmem:s14+$0x0];
	vm4 =	vgt.f32 v15, $1.000000010e-01  }
.Ltmp0:
0x48: {  	s13 =	sadd.s32 $0x200, s13;
	vm7 =	vlt.f32 v15, $1.000000000e+02;
	vm1 =	vgt.f32 v16, $1.000000010e-01;
	vm3 =	vlt.f32 v16, $1.000000000e+02;
	(pc) =	sbr.rel @p0 .LBB2_3-.Ltmp0, $4  }
0x49: {  	v13 =	vmax.f32 v10, $9.999999970e-07;
	vm5 =	vgt.f32 v6, $1.000000010e-01;
	vm6 =	vlt.f32 v6, $1.000000000e+02  }
0x4a: {  	v12 =	vmax.f32 v11, $9.999999970e-07;
	vm11 =	vgt.f32 v7, $1.000000010e-01;
	vm12 =	vlt.f32 v7, $1.000000000e+02  }
0x4b: {  	v11 =	vmax.f32 v15, $9.999999970e-07;
	vm13 =	vgt.f32 v8, $1.000000010e-01;
	vm14 =	vlt.f32 v8, $1.000000000e+02  }
0x4c: {  	v10 =	vmax.f32 v16, $9.999999970e-07;
	vm10 =	vgt.f32 v9, $1.000000010e-01;
	vm15 =	vlt.f32 v9, $1.000000000e+02  }
0x4d: {  	v8 =	vmax.f32 v8, $9.999999970e-07;
	v7 =	vmax.f32 v7, $9.999999970e-07;
	v6 =	vmax.f32 v6, $9.999999970e-07  }
0x4e: {  	v9 =	vmax.f32 v9, $9.999999970e-07;
	vm10 =	vmand vm10, vm15;
	(erf) = vrcp.f32 v13  }
0x4f: {  	v14 =	vld [tilespmem:s14+$0x2070];
	vm0 =	vmand vm0, vm9;
	v52 =	vsel vm10, $0x3F800000, v0;
	(erf) = vrcp.f32 v12  }
0x50: {  	vm14 =	vmand vm13, vm14;
	v53 =	vld [tilespmem:s14+$0x2060];
	v5 =	vadd.f32 v52, v5;
	(erf) = vrcp.f32 v11  }
0x51: {  	v55 =	vld [tilespmem:s14+$0x2050];
	vm2 =	vmand vm2, vm8;
	v54 =	vsel vm14, $0x3F800000, v0;
	(erf) = vrcp.f32 v10  }
0x52: {  	vm15 =	vmand vm11, vm12;
	v56 =	vld [tilespmem:s14+$0x2040];
	v5 =	vadd.f32 v54, v5;
	(erf) = vrcp.f32 v6  }
0x53: {  	vm4 =	vmand vm4, vm7;
	v58 =	vld [tilespmem:s14+$0x2020];
	v6 =	vsel vm15, $0x3F800000, v0;
	(erf) = vrcp.f32 v9  }
0x54: {  	v57 =	vld [tilespmem:s14+$0x2030];
	vm5 =	vmand vm5, vm6;
	v5 =	vadd.f32 v6, v5;
	(erf) = vrcp.f32 v7  }
0x55: {  	vm1 =	vmand vm1, vm3;
	v7 =	vsel vm5, $0x3F800000, v0;
	(erf) = vrcp.f32 v8  }
0x56: {  	v59 =	vld [tilespmem:s14+$0x2000];
	v15 =	vsel vm0, $0x3F800000, v0;
	v16 =	vsel vm1, $0x3F800000, v0;
	v5 =	vadd.f32 v7, v5  }
0x57: {  	v17 =	vsel vm4, $0x3F800000, v0;
	v14 =	vnsel vm0, $0x0, v14;
	v13 =	vnsel vm4, $0x0, v55;
	v18 =	vpop (erf)  }
0x58: {  	v12 =	vnsel vm2, $0x0, v53;
	v9 =	vnsel vm15, $0x0, v58;
	v5 =	vadd.f32 v16, v5;
	v60 =	vpop (erf)  }
0x59: {  	v11 =	vnsel vm5, $0x0, v57;
	v10 =	vnsel vm1, $0x0, v56;
	v6 =	vld [tilespmem:s14+$0x2010];
	v7 =	vsel vm2, $0x3F800000, v0;
	v19 =	vpop (erf)  }
0x5a: {  	v61 =	vmul.f32 v14, v14;
	v21 =	vmul.f32 v13, v13;
	v5 =	vadd.f32 v17, v5;
	v20 =	vpop (erf)  }
0x5b: {  	v22 =	vmul.f32 v12, v12;
	v24 =	vmul.f32 v11, v11;
	v8 =	vnsel vm10, $0x0, v59;
	v23 =	vpop (erf)  }
0x5c: {  	v25 =	vmul.f32 v10, v10;
	v30 =	vmul.f32 v8, v8;
	v5 =	vadd.f32 v7, v5;
	v7 =	vpop (erf)  }
0x5d: {  	v27 =	vmul.f32 v9, v9;
	v3 =	vadd.f32 v8, v3;
	v7 =	vnsel vm10, $0x0, v7;
	v28 =	vpop (erf)  }
0x5e: {  	v1 =	vadd.f32 v30, v1;
	v6 =	vnsel vm14, $0x0, v6;
	v29 =	vmul.f32 v8, v7;
	v62 =	vpop (erf)  }
0x5f: {  	v26 =	vmul.f32 v6, v6;
	v4 =	vadd.f32 v7, v4;
	v7 =	vnsel vm14, $0x0, v62  }
0x60: {  	v3 =	vadd.f32 v6, v3;
	v2 =	vadd.f32 v29, v2;
	v63 =	vmul.f32 v6, v7  }
0x61: {  	v1 =	vadd.f32 v26, v1;
	v4 =	vadd.f32 v7, v4;
	v6 =	vnsel vm15, $0x0, v28  }
0x62: {  	v3 =	vadd.f32 v9, v3;
	v7 =	vmul.f32 v9, v6;
	v2 =	vadd.f32 v63, v2  }
0x63: {  	v1 =	vadd.f32 v27, v1;
	v4 =	vadd.f32 v6, v4;
	v6 =	vnsel vm5, $0x0, v23  }
0x64: {  	v3 =	vadd.f32 v11, v3;
	v2 =	vadd.f32 v7, v2;
	v7 =	vmul.f32 v11, v6  }
0x65: {  	v1 =	vadd.f32 v24, v1;
	v4 =	vadd.f32 v6, v4;
	v6 =	vnsel vm1, $0x0, v20  }
0x66: {  	v3 =	vadd.f32 v10, v3;
	v2 =	vadd.f32 v7, v2;
	v7 =	vmul.f32 v10, v6  }
0x67: {  	v1 =	vadd.f32 v25, v1;
	v4 =	vadd.f32 v6, v4;
	v6 =	vnsel vm4, $0x0, v19  }
0x68: {  	s12 =	sadd.s32 $0x1, s12;
	v3 =	vadd.f32 v13, v3;
	v2 =	vadd.f32 v7, v2;
	v7 =	vmul.f32 v13, v6  }
0x69: {  	p0 =	sne.s32 s12, $0x8;
	v1 =	vadd.f32 v21, v1;
	v4 =	vadd.f32 v6, v4;
	v6 =	vnsel vm2, $0x0, v60  }
.Ltmp1:
0x6a: {  	v3 =	vadd.f32 v12, v3;
	v2 =	vadd.f32 v7, v2;
	v7 =	vmul.f32 v12, v6;
	(pc) =	sbr.rel @p0 .LBB2_2-.Ltmp1, $4  }
0x6b: {  	v1 =	vadd.f32 v22, v1;
	v4 =	vadd.f32 v6, v4;
	v6 =	vnsel vm0, $0x0, v18  }
0x6c: {  	v5 =	vadd.f32 v15, v5;
	v2 =	vadd.f32 v7, v2;
	v7 =	vmul.f32 v14, v6  }
0x6d: {  	v3 =	vadd.f32 v14, v3;
	v1 =	vadd.f32 v61, v1  }
0x6e: {  	v4 =	vadd.f32 v6, v4;
	v2 =	vadd.f32 v7, v2  }
0x6f: {  	[tilespmem:$0x4000] =	vst v5  }
0x70: {  	[tilespmem:$0x4020] =	vst v3  }
0x71: {  	[tilespmem:$0x4040] =	vst v1;
	s11 =	sadd.s32 $0x1, s11  }
0x72: {  	[tilespmem:$0x4010] =	vst v4;
	p0 =	sne.s32 s11, s7  }
.Ltmp2:
0x73: {  	[tilespmem:$0x4030] =	vst v2;
	(pc) =	sbr.rel @p0 .LBB2_1-.Ltmp2, $4  }
0x74: {  	[hbm4b:s6+s2] =	stream.linear.scatter [tilespmem:s10], [sflag:$0x1], $0x50, $0x38;
	[tilespmem:$0x4080] =	vst v63  }
0x75: {  	_ =	swait.ge [sflag:s8], $0x50  }
0x76: {  	[sflag:s8] =	ssyncset.done $0x0  }
0x77: {  	[sflag:s8] =	ssyncadd.s32 $0xFFFFFFB0  }
0x78: {  	_ =	sfence.sel $0x180000  }
0x79: {  	[bflag:$0x0] =	sbarrier.arrive $0xFFFF  }
0x7a: {  	p0 =	sne.s32 s1, $0x0;
	_ =	strace $0x90000047  }
0x7b: {  	s0 =	sadd.s32 @!p0 $0x100000, s0;
	[bflag:$0x2] =	sbarrier.arrive $0xFFFF  }
0x7c: {  	[sflag:s0] =	ssyncadd.tile.s32 @!p0 $0x1;
	_ =	shalt  }
.Lfunc_end2:
_tile_overlayer_lowered:
.L_overlay_start_2:
0x7d: {  	(tag) =	ssettag $0x2  }
0x7e: {  	s0 =	rddreg [dreg:$0x0];
	s2 =	stileid.u32  }
0x7f: {  	s1 =	rddreg [dreg:$0x1];
	p0 =	sne.s32 s2, $0x0  }
0x80: {  	s3 =	rddreg [dreg:$0x2];
	[bflag:$0x3] =	sbarrier.arrive $0xFFFF;
	s2 =	simm.s32 @!p0 $0x1C01  }
0x81: {  	[timem:s3], [sflag:s2] =	dma.local @!p0 [hbm:s0], s1  }
0x82: {  	s0 =	simm.s32 @!p0 $0x1  }
0x83: {  	_ =	swait.ge @!p0 [sflag:s0], s1  }
0x84: {  	s1 =	ssub.s32 @!p0 $0x0, s1;
	[sflag:s0] =	ssyncset.done @!p0 $0x0  }
0x85: {  	[sflag:s0] =	ssyncadd.s32 @!p0 s1  }
0x86: {  	[bflag:$0x3] =	sbarrier.arrive $0xFFFF  }
0x87: {  	_ =	shalt  }

// kernel: kernel.7.cloned.1.call-start
scs
__scs_entry_jumppad:
0x0: {  	(pc) =	sbr.rel $0x88, $3  }
0x1: {  	(tag) =	ssettag $0x0;
	lr =	simm.s32 $0x1  }
0x2: {  	[smem:$0x3F9F] =	sst lr;
	_ =	strace $0xD0000000  }
0x3: {  	_ = 	snop  }
0x4: {  	_ = 	snop  }
0x5: {  	_ = 	snop  }
0x6: {  	_ = 	snop  }
0x7: {  	_ = 	snop  }
__scs_overlays_trampoline_lowered:
0x8: {  	[smem:$0x3FAE] =	sst s0  }
0x9: {  	[smem:$0x3FAF] =	sst s1  }
0xa: {  	[smem:$0x3FB0] =	sst s2  }
0xb: {  	[smem:$0x3FB1] =	sst s3  }
0xc: {  	[smem:$0x3FB2] =	sst s4  }
0xd: {  	[smem:$0x3FB3] =	sst s5  }
0xe: {  	[smem:$0x3FB4] =	sst s6  }
0xf: {  	[smem:$0x3FB5] =	sst s7  }
0x10: {  	[smem:$0x3FB6] =	sst s8  }
0x11: {  	[smem:$0x3FB7] =	sst s9;
	s0 =	simm.s32 @!p0 $0x0  }
0x12: {  	s1 =	sld [smem:$0x3F9D];
	s0 =	simm.s32 @p0 $0x1  }
0x13: {  	[smem:$0x3FB8] =	sst s0;
	s0 =	simm.s32 @!p1 $0x0  }
0x14: {  	s2 =	sld [smem:$0x3F9C];
	s0 =	simm.s32 @p1 $0x1  }
0x15: {  	[smem:$0x3FB9] =	sst s0;
	s0 =	simm.s32 @!p2 $0x0  }
0x16: {  	s3 =	sld [smem:$0x3FDB];
	s0 =	simm.s32 @p2 $0x1  }
0x17: {  	s4 =	simm.s32 $0x1BF5;
	[smem:$0x3FBB] =	sst s0  }
0x18: {  	s0 =	sld [smem:$0x3F9E];
	_ =	swait.ge [sflag:s4], $0x0  }
0x19: {  	s7 =	sld [smem:$0x3F9F]  }
0x1a: {  	s8 =	sadd.s32 $0xFFFFE003, lr  }
0x1b: {  	s9 =	sadd.s32 $0xFFFFFEF7, lr;
	s5 =	simm.s32 $0xFFFFFFFF;
	p2 =	slt.u32 s8, $0xFFFFF086  }
0x1c: {  	p1 =	slt.u32 s9, $0xF7A;
	s5 =	simm.s32 @!p2 $0x0  }
0x1d: {  	s5 =	simm.s32 @p1 $0x1;
	p0 =	seq.s32 s7, s2  }
0x1e: {  	s7 =	smul.u32 @!p0 $0xF7A, s2;
	p2 =	seq.s32 @!p0 s5, $0x0  }
0x1f: {  	s9 =	smul.u32 $0xF7A, s1;
	s8 =	simm.s32 @!p0 $0x1BF5;
	p2 =	por !p2, p0  }
0x20: {  	[sflag:s8] =	ssyncset.s32 @!p0 $0xFFFFF086;
	s6 =	sadd.s32 @!p0 s3, s7;
	s7 =	simm.s32 @!p0 $0x108  }
0x21: {  	s3 =	sadd.s32 s3, s9;
	s6 =	sadd.s32 @!p0 $0x88, s6;
	s7 =	simm.s32 @p2 $0x1082  }
0x22: {  	[simem:s7], [sflag:s8] =	dma.local @!p0 [hbm:s6], $0xF7A  }
0x23: {  	s9 =	sor.u32 $0xD0000000, s2;
	s6 =	simm.s32 $0x108;
	_ =	swait.ge @!p0 [sflag:s8], $0x0  }
0x24: {  	s3 =	sadd.s32 $0x88, s3;
	s6 =	simm.s32 @!p1 $0x1082;
	[sflag:s4] =	ssyncset.s32 $0xFFFFF086  }
0x25: {  	[simem:s6], [sflag:s4] =	dma.local [hbm:s3], $0xF7A  }
0x26: {  	[smem:$0x3F9F] =	sst s1;
	(tag) =	ssettag s2;
	_ =	strace s9  }
0x27: {  	s1 =	sld [smem:$0x3FAF]  }
0x28: {  	s2 =	sld [smem:$0x3FB0]  }
0x29: {  	s4 =	sld [smem:$0x3FB2]  }
0x2a: {  	p0 =	seq.s32 s5, $0x0;
	s5 =	sld [smem:$0x3FB3]  }
0x2b: {  	s6 =	sld [smem:$0x3FB4]  }
0x2c: {  	s7 =	sld [smem:$0x3FB5]  }
0x2d: {  	s3 =	simm.s32 $0x108;
	s8 =	sld [smem:$0x3FB6]  }
0x2e: {  	s3 =	simm.s32 @!p0 $0x1082;
	s9 =	sld [smem:$0x3FB7]  }
0x2f: {  	lr =	sadd.s32 s0, s3;
	s0 =	sld [smem:$0x3FAE]  }
0x30: {  	s3 =	sld [smem:$0x3FB1]  }
0x31: {  	[smem:$0x3FBA] =	sst s10  }
0x32: {  	s10 =	sld [smem:$0x3FB8];
	_ =	sdelay $0x3  }
0x33: {  	p0 =	seq.s32 s10, $0x1;
	s10 =	sld [smem:$0x3FBA];
	_ =	sdelay $0x3  }
0x34: {  	[smem:$0x3FBA] =	sst s10  }
0x35: {  	s10 =	sld [smem:$0x3FB9];
	_ =	sdelay $0x3  }
0x36: {  	p1 =	seq.s32 s10, $0x1;
	s10 =	sld [smem:$0x3FBA];
	_ =	sdelay $0x3  }
0x37: {  	[smem:$0x3FBA] =	sst s10  }
0x38: {  	s10 =	sld [smem:$0x3FBB]  }
0x39: {  	_ = 	snop;
	(pc) =	sbr.ind lr, $3  }
0x3a: {  	_ = 	snop  }
0x3b: {  	_ = 	snop  }
0x3c: {  	p2 =	seq.s32 s10, $0x1;
	s10 =	sld [smem:$0x3FBA]  }
0x3d: {  	_ =	shalt  }
0x3e: {  	_ =	shalt  }
0x3f: {  	_ =	shalt  }
0x40: {  	_ =	shalt  }
0x41: {  	_ =	shalt  }
0x42: {  	_ =	shalt  }
0x43: {  	_ =	shalt  }
0x44: {  	_ =	shalt  }
0x45: {  	_ =	shalt  }
0x46: {  	_ =	shalt  }
0x47: {  	_ =	shalt  }
0x48: {  	_ =	shalt  }
0x49: {  	_ =	shalt  }
0x4a: {  	_ =	shalt  }
0x4b: {  	_ =	shalt  }
0x4c: {  	_ =	shalt  }
0x4d: {  	_ =	shalt  }
0x4e: {  	_ =	shalt  }
0x4f: {  	_ =	shalt  }
0x50: {  	_ =	shalt  }
0x51: {  	_ =	shalt  }
0x52: {  	_ =	shalt  }
0x53: {  	_ =	shalt  }
0x54: {  	_ =	shalt  }
0x55: {  	_ =	shalt  }
0x56: {  	_ =	shalt  }
0x57: {  	_ =	shalt  }
0x58: {  	_ =	shalt  }
0x59: {  	_ =	shalt  }
0x5a: {  	_ =	shalt  }
0x5b: {  	_ =	shalt  }
0x5c: {  	_ =	shalt  }
0x5d: {  	_ =	shalt  }
0x5e: {  	_ =	shalt  }
0x5f: {  	_ =	shalt  }
0x60: {  	_ =	shalt  }
0x61: {  	_ =	shalt  }
0x62: {  	_ =	shalt  }
0x63: {  	_ =	shalt  }
0x64: {  	_ =	shalt  }
0x65: {  	_ =	shalt  }
0x66: {  	_ =	shalt  }
0x67: {  	_ =	shalt  }
0x68: {  	_ =	shalt  }
0x69: {  	_ =	shalt  }
0x6a: {  	_ =	shalt  }
0x6b: {  	_ =	shalt  }
0x6c: {  	_ =	shalt  }
0x6d: {  	_ =	shalt  }
0x6e: {  	_ =	shalt  }
0x6f: {  	_ =	shalt  }
0x70: {  	_ =	shalt  }
0x71: {  	_ =	shalt  }
0x72: {  	_ =	shalt  }
0x73: {  	_ =	shalt  }
0x74: {  	_ =	shalt  }
0x75: {  	_ =	shalt  }
0x76: {  	_ =	shalt  }
0x77: {  	_ =	shalt  }
0x78: {  	_ =	shalt  }
0x79: {  	_ =	shalt  }
0x7a: {  	_ =	shalt  }
0x7b: {  	_ =	shalt  }
0x7c: {  	_ =	shalt  }
0x7d: {  	_ =	shalt  }
0x7e: {  	_ =	shalt  }
0x7f: {  	_ =	shalt  }
0x80: {  	_ =	shalt  }
0x81: {  	_ =	shalt  }
0x82: {  	_ =	shalt  }
0x83: {  	_ =	shalt  }
0x84: {  	_ =	shalt  }
0x85: {  	_ =	shalt  }
0x86: {  	_ =	shalt  }
0x87: {  	_ =	shalt  }
.Lfunc_end0:
.L_simem_size_0:
called_computation.1_lowered:
.L_overlay_start_0:
0x88: {  	s2 =	sld [smem:$0x3FD9]  }
0x89: {  	s3 =	sld [smem:$0x3FFE];
	_ =	sdelay $0x1  }
0x8a: {  	s1 =	srdreg.scid  }
0x8b: {  	s0 =	sand.u32 $0x1, s1  }
0x8c: {  	s16 =	sshll.u32 s0, $0xA;
	s2 =	sadd.s32 s3, s2  }
0x8d: {  	s2 =	sadd.s32 s2, s16  }
0x8e: {  	[smem:$0x3FC6] =	sst s2  }
0x8f: {  	_ = 	snop  }
0x90: {  	(tm) =	ssettm $0x1  }
0x91: {  	s17 =	sld [smem:$0x3FFB];
	_ =	sdelay $0x3  }
0x92: {  	_ =	strace s17  }
0x93: {  	s2 =	sld [smem:$0x3FFC];
	_ =	sdelay $0x3  }
0x94: {  	_ =	strace s2  }
0x95: {  	s2 =	sld [smem:$0x3FFD];
	_ =	sdelay $0x3  }
0x96: {  	_ =	strace s2  }
0x97: {  	_ =	strace $0x8FFFFFFF  }
0x98: {  	s18 =	sld [smem:$0x3FDB];
	_ =	sdelay $0x1  }
0x99: {  	s19 =	simm.s32 $_scs_section_size  }
0x9a: {  	s4 =	simm.s32 $_size__tile_overlayer_lowered;
	s5 =	simm.s32 $_tile_overlayer_lowered  }
0x9b: {  	s22 =	simm.s32 $0x1BFF;
	s21 =	sshll.u32 s5, $0x1;
	s2 =	sadd.s32 s19, s18  }
0x9c: {  	s6 =	simm.s32 $0x0;
	s20 =	sshll.u32 s4, $0x1;
	s4 =	sadd.s32 s21, s2  }
0x9d: {  	[timem:s6], [sflag:s22] =	dma.local [hbm:s4], s20  }
0x9e: {  	_ =	swait.ge [sflag:s22], s20  }
0x9f: {  	s3 =	ssub.s32 $0x0, s20;
	[sflag:s22] =	ssyncset.done $0x0  }
0xa0: {  	[sflag:s22] =	ssyncadd.s32 s3;
	_ =	sdelay $0x1  }
0xa1: {  	s23 =	simm.s32 $0x1B8B  }
0xa2: {  	_ =	swait.ge [sflag:s23], $0x1  }
0xa3: {  	[sflag:s23] =	ssyncset.done $0x0  }
0xa4: {  	s25 =	simm.s32 $0x1B8E;
	s24 =	sld [smem:$0x3FFE];
	[sflag:s23] =	ssyncadd.s32 $0xFFFFFFFF  }
0xa5: {  	s26 =	simm.s32 $execute0_lowered;
	[smem:$0x3FD2] =	sst s25  }
0xa6: {  	s4 =	sshll.u32 s26, $0x1;
	_ =	strace $0x80000049;
	[dreg:$0x1] =	wrdreg $0xFFFFFFFF  }
0xa7: {  	s28 =	simm.s32 $_size_execute0_lowered;
	s2 =	sadd.s32 s2, s4;
	[dreg:$0x0] =	wrdreg $0x0  }
0xa8: {  	s4 =	sshll.u32 s28, $0x1;
	[dreg:$0x2] =	wrdreg s2  }
0xa9: {  	[dreg:$0x3] =	wrdreg s4  }
0xaa: {  	[dreg:$0x4] =	wrdreg $0xC0  }
0xab: {  	_ =	task [dreg:s6], $0x5FFFF  }
0xac: {  	[dreg:$0x1] =	wrdreg $0xFFFFFFFF  }
0xad: {  	[dreg:$0x0] =	wrdreg $0x60  }
0xae: {  	[dreg:$0x2] =	wrdreg s24  }
0xaf: {  	[dreg:$0x3] =	wrdreg $0x9  }
0xb0: {  	_ =	task.clear_ibuf [dreg:s6], $0x4FFFF;
	_ =	strace $0x90000049  }
0xb1: {  	s29 =	simm.s32 $0x9;
	_ =	strace $0x8000004B  }
0xb2: {  	_ =	swait.ge [sflag:s29], $0x1  }
0xb3: {  	[sflag:s29] =	ssyncadd.s32 $0xFFFFFFFF  }
0xb4: {  	_ =	strace $0x9000004B  }
0xb5: {  	_ =	sfence  }
0xb6: {  	s30 =	sld [smem:$0x0];
	_ =	sdelay $0x2  }
0xb7: {  	s31 =	sshll.u32 s1, $0xD;
	s1 =	sshrl.u32 s1, $0x2  }
0xb8: {  	s3 =	sand.u32 $0x4000, s31;
	s1 =	sadd.s32 s1, s30  }
0xb9: {  	s0 =	sor.u32 s3, s0;
	s1 =	sshll.u32 s1, $0x11  }
0xba: {  	s0 =	sor.u32 s1, s0  }
0xbb: {  	s0 =	sadd.s32 $0x8F2B, s0  }
0xbc: {  	[sflag:s0] =	ssyncadd.remote.s32 $0x1  }
0xbd: {  	_ =	sfence.sel $0xFFFF  }
0xbe: {  	[dreg:$0x0] =	wrdreg $0xFFFFFFFF;
	(pc) =	sbr.abs _section_cstart, $3  }
0xbf: {  	[dreg:$0x1] =	wrdreg $0xFFFFFFFF  }
0xc0: {  	_ =	task.clear_ibuf [dreg:s6], $0x2FFFF;
	_ =	strace $0x9FFFFFFF  }
0xc1: {  	(tm) =	ssettm $0x7FFFFFFF  }
tec
execute0_lowered:
.L_overlay_start_1:
0x0: {  	(tag) =	ssettag $0x1  }
0x1: {  	s0 =	rddreg [dreg:$0x0]  }
0x2: {  	s7 =	simm.s32 $0x0;
	s1 =	srdreg.scid;
	s2 =	stileid.u32  }
0x3: {  	[smem:$0x7FF] =	sst s7;
	s1 =	sand.u32 $0x1, s1;
	s2 =	sshll.u32 s2, $0x1  }
0x4: {  	s3 =	sadd.s32 $0x600, s0;
	s4 =	sadd.s32 $0x40600, s0;
	s2 =	sor.u32 s1, s2  }
0x5: {  	s6 =	sadd.s32 $0x80600, s0;
	s1 =	ssub.s32 $0x2, s1;
	s5 =	sshll.u32 s2, $0x1  }
0x6: {  	_ =	strace $0x8000004A;
	s30 =	sshrl.u32 s1, $0x1;
	s0 =	sadd.s32 s5, s0  }
0x7: {  	[dreg:$0x2] =	wrdreg s6;
	s1 =	ssub.s32 s1, s30;
	s0 =	sadd.s32 $0x80800, s0  }
0x8: {  	s10 =	simm.s32 $0x1;
	s31 =	smax.u32 s1, $0x1;
	[dreg:$0x3] =	wrdreg s0  }
0x9: {  	s6 =	sshll.u32 s2, $0xD;
	s1 =	simm.s32 $0x0;
	[dreg:$0x4] =	wrdreg s31  }
.LBB2_1:
0xa: {  	[dreg:$0x5] =	wrdreg s1  }
0xb: {  	s0 =	rddreg [dreg:$0x2];
	s30 =	simm.s32 $0x4000  }
0xc: {  	[tilespmem:s30], [sflag:$0x1] =	stream.linear.gather [hbm4b:s0+s7], $0xA00, $0x38;
	[tilespmem:$0x4A80] =	vst v63  }
0xd: {  	_ =	swait.ge [sflag:s10], $0xA00  }
0xe: {  	[sflag:s10] =	ssyncset.done $0x0  }
0xf: {  	s31 =	simm.s32 $0x0;
	[sflag:s10] =	ssyncadd.s32 $0xFFFFF600  }
0x10: {  	v0 =	vld [tilespmem:s31+$0x4040]  }
0x11: {  	v8 =	vld [tilespmem:s31+$0x4000]  }
0x12: {  	v6 =	vld [tilespmem:s31+$0x4010]  }
0x13: {  	v1 =	vimm.f32 $0.0e+00;
	v9 =	vimm.f32 $0.0e+00;
	v4 =	vld [tilespmem:s31+$0x4020]  }
0x14: {  	v7 =	vimm.f32 $0.0e+00;
	v5 =	vimm.f32 $0.0e+00;
	v3 =	vimm.f32 $0.0e+00;
	s0 =	simm.s32 $0x140;
	v2 =	vld [tilespmem:s31+$0x4030]  }
.LBB2_2:
0x15: {  	s1 =	sshra.s32 s0, $0x2;
	p0 =	sne.s32 s0, $0x26C0;
	s0 =	sadd.s32 $0x140, s0;
	v1 =	vadd.f32 v0, v1  }
.Ltmp0:
0x16: {  	v0 =	vld [tilespmem:s1+$0x4040];
	v9 =	vadd.f32 v8, v9;
	(pc) =	sbr.rel @p0 .LBB2_2-.Ltmp0, $4  }
0x17: {  	v8 =	vld [tilespmem:s1+$0x4000];
	v7 =	vadd.f32 v6, v7  }
0x18: {  	v6 =	vld [tilespmem:s1+$0x4010];
	v5 =	vadd.f32 v4, v5  }
0x19: {  	v4 =	vld [tilespmem:s1+$0x4020];
	v3 =	vadd.f32 v2, v3  }
0x1a: {  	v2 =	vld [tilespmem:s1+$0x4030]  }
0x1b: {  	_ = 	snop  }
0x1c: {  	v8 =	vadd.f32 v8, v9;
	_ =	sdelay $0x1  }
0x1d: {  	(v2sf) =	vpush v8, $0x0  }
0x1e: {  	(v2sf) =	vpush v8, $0x1  }
0x1f: {  	(v2sf) =	vpush v8, $0x2  }
0x20: {  	(v2sf) =	vpush v8, $0x3  }
0x21: {  	(v2sf) =	vpush v8, $0x4  }
0x22: {  	(v2sf) =	vpush v8, $0x5  }
0x23: {  	(v2sf) =	vpush v8, $0x6  }
0x24: {  	(v2sf) =	vpush v8, $0x7  }
0x25: {  	(v2sf) =	vpush v8, $0x8  }
0x26: {  	(v2sf) =	vpush v8, $0x9  }
0x27: {  	(v2sf) =	vpush v8, $0xA  }
0x28: {  	(v2sf) =	vpush v8, $0xB  }
0x29: {  	(v2sf) =	vpush v8, $0xC  }
0x2a: {  	(v2sf) =	vpush v8, $0xD  }
0x2b: {  	v6 =	vadd.f32 v6, v7;
	(v2sf) =	vpush v8, $0xE  }
0x2c: {  	s0 =	spop (v2sf);
	(v2sf) =	vpush v8, $0xF  }
0x2d: {  	s5 =	spop (v2sf);
	(v2sf) =	vpush v6, $0x0  }
0x2e: {  	s7 =	spop (v2sf);
	(v2sf) =	vpush v6, $0x1  }
0x2f: {  	s8 =	spop (v2sf);
	(v2sf) =	vpush v6, $0x2  }
0x30: {  	s11 =	spop (v2sf);
	(v2sf) =	vpush v6, $0x3  }
0x31: {  	s12 =	spop (v2sf);
	(v2sf) =	vpush v6, $0x4  }
0x32: {  	s5 =	sadd.f32 s5, s0;
	s13 =	spop (v2sf);
	(v2sf) =	vpush v6, $0x5  }
0x33: {  	s16 =	spop (v2sf);
	(v2sf) =	vpush v6, $0x6  }
0x34: {  	s5 =	sadd.f32 s5, s7;
	s17 =	spop (v2sf);
	(v2sf) =	vpush v6, $0x7  }
0x35: {  	s18 =	spop (v2sf);
	(v2sf) =	vpush v6, $0x8  }
0x36: {  	s5 =	sadd.f32 s5, s8;
	s19 =	spop (v2sf);
	(v2sf) =	vpush v6, $0x9  }
0x37: {  	s2 =	spop (v2sf);
	(v2sf) =	vpush v6, $0xA  }
0x38: {  	s5 =	sadd.f32 s5, s11;
	s9 =	spop (v2sf);
	(v2sf) =	vpush v6, $0xB  }
0x39: {  	s1 =	spop (v2sf);
	(v2sf) =	vpush v6, $0xC  }
0x3a: {  	s5 =	sadd.f32 s5, s12;
	s31 =	spop (v2sf);
	(v2sf) =	vpush v6, $0xD  }
0x3b: {  	v4 =	vadd.f32 v4, v5;
	s14 =	spop (v2sf);
	(v2sf) =	vpush v6, $0xE  }
0x3c: {  	s5 =	sadd.f32 s5, s13;
	s30 =	spop (v2sf);
	(v2sf) =	vpush v6, $0xF  }
0x3d: {  	s0 =	spop (v2sf);
	(v2sf) =	vpush v4, $0x0  }
0x3e: {  	s5 =	sadd.f32 s5, s16;
	s29 =	spop (v2sf);
	(v2sf) =	vpush v4, $0x1  }
0x3f: {  	s28 =	spop (v2sf);
	(v2sf) =	vpush v4, $0x2  }
0x40: {  	s5 =	sadd.f32 s5, s17;
	s15 =	spop (v2sf);
	(v2sf) =	vpush v4, $0x3  }
0x41: {  	s21 =	spop (v2sf);
	(v2sf) =	vpush v4, $0x4  }
0x42: {  	s5 =	sadd.f32 s5, s18;
	s22 =	spop (v2sf);
	(v2sf) =	vpush v4, $0x5  }
0x43: {  	s0 =	sadd.f32 s0, s30;
	s23 =	spop (v2sf);
	(v2sf) =	vpush v4, $0x6  }
0x44: {  	s5 =	sadd.f32 s5, s19;
	s24 =	spop (v2sf);
	(v2sf) =	vpush v4, $0x7  }
0x45: {  	s0 =	sadd.f32 s0, s29;
	s25 =	spop (v2sf);
	(v2sf) =	vpush v4, $0x8  }
0x46: {  	[dreg:$0xf] =	wrdreg s21;
	s26 =	spop (v2sf);
	(v2sf) =	vpush v4, $0x9  }
0x47: {  	s2 =	sadd.f32 s5, s2;
	s8 =	spop (v2sf);
	(v2sf) =	vpush v4, $0xA  }
0x48: {  	s0 =	sadd.f32 s0, s28;
	s11 =	spop (v2sf);
	(v2sf) =	vpush v4, $0xB  }
0x49: {  	[dreg:$0xe] =	wrdreg s22;
	s12 =	spop (v2sf);
	(v2sf) =	vpush v4, $0xC  }
0x4a: {  	[dreg:$0xd] =	wrdreg s23;
	s13 =	spop (v2sf);
	(v2sf) =	vpush v4, $0xD  }
0x4b: {  	v2 =	vadd.f32 v2, v3;
	s2 =	sadd.f32 s2, s9;
	s17 =	spop (v2sf);
	(v2sf) =	vpush v4, $0xE  }
0x4c: {  	[dreg:$0x9] =	wrdreg s8;
	s8 =	spop (v2sf);
	(v2sf) =	vpush v4, $0xF  }
0x4d: {  	[dreg:$0x7] =	wrdreg s11;
	s11 =	spop (v2sf);
	(v2sf) =	vpush v2, $0x0  }
0x4e: {  	[dreg:$0x8] =	wrdreg s12;
	s12 =	spop (v2sf);
	(v2sf) =	vpush v2, $0x1  }
0x4f: {  	s1 =	sadd.f32 s2, s1;
	s18 =	spop (v2sf);
	(v2sf) =	vpush v2, $0x2  }
0x50: {  	[dreg:$0xc] =	wrdreg s24;
	(v2sf) =	vpush v2, $0x3;
	s19 =	spop (v2sf)  }
0x51: {  	s1 =	sadd.f32 s1, s31;
	(v2sf) =	vpush v2, $0x4;
	s20 =	spop (v2sf)  }
0x52: {  	[dreg:$0xb] =	wrdreg s25;
	(v2sf) =	vpush v2, $0x5;
	s21 =	spop (v2sf)  }
0x53: {  	s16 =	sadd.f32 s1, s14;
	(v2sf) =	vpush v2, $0x6;
	s22 =	spop (v2sf)  }
0x54: {  	s14 =	sadd.f32 s11, s8;
	(v2sf) =	vpush v2, $0x7;
	s23 =	spop (v2sf)  }
0x55: {  	[dreg:$0xa] =	wrdreg s26;
	(v2sf) =	vpush v2, $0x8;
	s24 =	spop (v2sf)  }
0x56: {  	s1 =	sadd.f32 s14, s12;
	(v2sf) =	vpush v2, $0x9;
	s25 =	spop (v2sf)  }
0x57: {  	[dreg:$0x6] =	wrdreg s13;
	(v2sf) =	vpush v2, $0xA;
	s26 =	spop (v2sf)  }
0x58: {  	s1 =	sadd.f32 s1, s18;
	(v2sf) =	vpush v2, $0xB;
	s13 =	spop (v2sf)  }
0x59: {  	s0 =	sadd.f32 s0, s15;
	(v2sf) =	vpush v2, $0xC;
	s7 =	spop (v2sf)  }
0x5a: {  	s18 =	sadd.f32 s1, s19;
	(v2sf) =	vpush v2, $0xD;
	s2 =	spop (v2sf)  }
0x5b: {  	v0 =	vadd.f32 v0, v1;
	s19 =	rddreg [dreg:$0xf];
	(v2sf) =	vpush v2, $0xE;
	s5 =	spop (v2sf)  }
0x5c: {  	s0 =	sadd.f32 s0, s19;
	(v2sf) =	vpush v2, $0xF;
	s9 =	spop (v2sf)  }
0x5d: {  	s14 =	sadd.f32 s18, s20;
	(v2sf) =	vpush v0, $0x0;
	s11 =	spop (v2sf)  }
0x5e: {  	s20 =	rddreg [dreg:$0xe];
	(v2sf) =	vpush v0, $0x1;
	s8 =	spop (v2sf)  }
0x5f: {  	s15 =	sadd.f32 s0, s20;
	s12 =	spop (v2sf)  }
0x60: {  	s14 =	sadd.f32 s14, s21;
	(v2sf) =	vpush v0, $0x2;
	s31 =	spop (v2sf)  }
0x61: {  	s21 =	rddreg [dreg:$0xd];
	s1 =	spop (v2sf)  }
0x62: {  	s15 =	sadd.f32 s15, s21;
	(v2sf) =	vpush v0, $0x3;
	s30 =	spop (v2sf)  }
0x63: {  	s14 =	sadd.f32 s14, s22;
	s28 =	spop (v2sf)  }
0x64: {  	s22 =	rddreg [dreg:$0xc];
	(v2sf) =	vpush v0, $0x4;
	s29 =	spop (v2sf)  }
0x65: {  	s20 =	sadd.f32 s15, s22;
	s0 =	spop (v2sf)  }
0x66: {  	s22 =	sadd.f32 s14, s23;
	(v2sf) =	vpush v0, $0x5;
	s21 =	spop (v2sf)  }
0x67: {  	s23 =	rddreg [dreg:$0xb];
	s19 =	spop (v2sf)  }
0x68: {  	s23 =	sadd.f32 s20, s23;
	(v2sf) =	vpush v0, $0x6;
	s15 =	spop (v2sf)  }
0x69: {  	s22 =	sadd.f32 s22, s24;
	s18 =	spop (v2sf)  }
0x6a: {  	s24 =	rddreg [dreg:$0xa];
	(v2sf) =	vpush v0, $0x7;
	s14 =	spop (v2sf)  }
0x6b: {  	s22 =	sadd.f32 s22, s25;
	s20 =	spop (v2sf)  }
0x6c: {  	s23 =	sadd.f32 s23, s24;
	(v2sf) =	vpush v0, $0x8;
	s24 =	spop (v2sf)  }
0x6d: {  	s22 =	sadd.f32 s22, s26;
	s25 =	spop (v2sf)  }
0x6e: {  	s24 =	sadd.f32 s25, s24  }
0x6f: {  	s13 =	sadd.f32 s22, s13;
	(v2sf) =	vpush v0, $0x9;
	s26 =	spop (v2sf)  }
0x70: {  	s24 =	sadd.f32 s24, s26  }
0x71: {  	s7 =	sadd.f32 s13, s7;
	(v2sf) =	vpush v0, $0xA;
	s25 =	spop (v2sf)  }
0x72: {  	s22 =	sadd.f32 s24, s25  }
0x73: {  	s2 =	sadd.f32 s7, s2;
	s26 =	spop (v2sf)  }
0x74: {  	(v2sf) =	vpush v0, $0xB;
	s13 =	sadd.f32 s22, s26  }
0x75: {  	s2 =	sadd.f32 s2, s5;
	s22 =	spop (v2sf)  }
0x76: {  	s7 =	sadd.f32 s13, s22  }
0x77: {  	(v2sf) =	vpush v0, $0xC;
	s25 =	sadd.f32 s11, s9;
	s24 =	spop (v2sf)  }
0x78: {  	s5 =	sadd.f32 s7, s24  }
0x79: {  	(v2sf) =	vpush v0, $0xD;
	s26 =	spop (v2sf);
	s7 =	sadd.f32 s25, s8  }
0x7a: {  	s5 =	sadd.f32 s5, s26  }
0x7b: {  	(v2sf) =	vpush v0, $0xE;
	s11 =	spop (v2sf);
	s7 =	sadd.f32 s7, s12  }
0x7c: {  	s5 =	sadd.f32 s5, s11  }
0x7d: {  	(v2sf) =	vpush v0, $0xF;
	s7 =	sadd.f32 s7, s31  }
0x7e: {  	s12 =	spop (v2sf);
	s31 =	rddreg [dreg:$0x6]  }
0x7f: {  	v0 =	vmov s16;
	s5 =	sadd.f32 s5, s12  }
0x80: {  	v0 =	vmax.f32 v0, $1.000000000e+00;
	s13 =	spop (v2sf);
	s1 =	sadd.f32 s7, s1  }
0x81: {  	v0 =	vbroadcast v0, $0x0;
	s5 =	sadd.f32 s5, s13  }
0x82: {  	s1 =	sadd.f32 s1, s30  }
0x83: {  	(erf) = vrcp.f32 v0;
	s16 =	spop (v2sf);
	s30 =	rddreg [dreg:$0x8]  }
0x84: {  	s5 =	sadd.f32 s5, s16  }
0x85: {  	s1 =	sadd.f32 s1, s28  }
0x86: {  	s22 =	spop (v2sf);
	s28 =	rddreg [dreg:$0x9]  }
0x87: {  	s5 =	sadd.f32 s5, s22  }
0x88: {  	s24 =	spop (v2sf);
	s1 =	sadd.f32 s1, s29  }
0x89: {  	s5 =	sadd.f32 s5, s24  }
0x8a: {  	s25 =	spop (v2sf);
	s29 =	rddreg [dreg:$0x7]  }
0x8b: {  	s5 =	sadd.f32 s5, s25  }
0x8c: {  	v0 =	vpop (erf);
	s0 =	sadd.f32 s1, s0;
	s26 =	spop (v2sf)  }
0x8d: {  	v2 =	vmul.f32 s2, v0;
	s1 =	sadd.f32 s5, s26  }
0x8e: {  	s2 =	sadd.f32 s23, s28  }
0x8f: {  	s0 =	sadd.f32 s0, s21;
	v3 =	vmul.f32 v2, v2;
	v1 =	vmul.f32 s1, v0  }
0x90: {  	s1 =	sadd.f32 s2, s29  }
0x91: {  	s0 =	sadd.f32 s0, s19;
	v1 =	vsub.f32 v1, v3  }
0x92: {  	s1 =	sadd.f32 s1, s30  }
0x93: {  	s0 =	sadd.f32 s0, s15;
	v1 =	vadd.f32 $9.999999930e-09, v1  }
0x94: {  	s1 =	sadd.f32 s1, s31  }
0x95: {  	s0 =	sadd.f32 s0, s18;
	(erf) = vrcp.f32 v1  }
0x96: {  	s1 =	sadd.f32 s1, s17  }
0x97: {  	s0 =	sadd.f32 s0, s14  }
0x98: {  	v3 =	vmul.f32 s1, v0  }
0x99: {  	s0 =	sadd.f32 s0, s20  }
0x9a: {  	v4 =	vmul.f32 v2, v3  }
0x9b: {  	v1 =	vmul.f32 s0, v0;
	_ =	sdelay $0x1  }
0x9c: {  	v1 =	vsub.f32 v1, v4  }
0x9d: {  	v4 =	vpop (erf)  }
0x9e: {  	v1 =	vmul.f32 v4, v1;
	_ =	sdelay $0x1  }
0x9f: {  	v1 =	vmax.f32 v1, $9.999999740e-05  }
0xa0: {  	v2 =	vmul.f32 v1, v2  }
0xa1: {  	s7 =	simm.s32 $0x0  }
0xa2: {  	s15 =	simm.s32 $0x0;
	s2 =	simm.s32 $0x2000;
	s14 =	simm.s32 $0x0;
	v2 =	vsub.f32 v3, v2;
	v3 =	vimm.f32 $0.0e+00  }
.LBB2_4:
0xa3: {  	s0 =	sshll.u32 s15, $0xA  }
0xa4: {  	s0 =	sadd.s32 s6, s0  }
0xa5: {  	s1 =	sadd.s32 s3, s0  }
0xa6: {  	[tilespmem:s14], [sflag:$0x1] =	stream.linear.gather [hbm4b:s1+s14], $0x2000, $0x38;
	[tilespmem:$0x4A80] =	vst v63  }
0xa7: {  	_ =	swait.ge [sflag:s10], $0x2000  }
0xa8: {  	[sflag:s10] =	ssyncset.done $0x0  }
0xa9: {  	s0 =	sadd.s32 s4, s0;
	[sflag:s10] =	ssyncadd.s32 $0xFFFFE000  }
0xaa: {  	[tilespmem:s2], [sflag:$0x1] =	stream.linear.gather [hbm4b:s0+s14], $0x2000, $0x38;
	[tilespmem:$0x4A80] =	vst v63  }
0xab: {  	_ =	swait.ge [sflag:s10], $0x2000  }
0xac: {  	[sflag:s10] =	ssyncset.done $0x0  }
0xad: {  	s31 =	simm.s32 $0x0;
	[sflag:s10] =	ssyncadd.s32 $0xFFFFE000  }
0xae: {  	v4 =	vld [tilespmem:s31+$0x70]  }
0xaf: {  	v5 =	vld [tilespmem:s31+$0x60]  }
0xb0: {  	v6 =	vld [tilespmem:s31+$0x50]  }
0xb1: {  	v7 =	vld [tilespmem:s31+$0x40]  }
0xb2: {  	v8 =	vld [tilespmem:s31+$0x30]  }
0xb3: {  	v9 =	vld [tilespmem:s31+$0x20]  }
0xb4: {  	v10 =	vld [tilespmem:s31+$0x10];
	vm0 =	vgt.f32 v4, $1.000000010e-01  }
0xb5: {  	v11 =	vld [tilespmem:s31+$0x0];
	vm1 =	vgt.f32 v5, $1.000000010e-01;
	vm3 =	vlt.f32 v4, $1.000000000e+02;
	vm2 =	vgt.f32 v6, $1.000000010e-01  }
0xb6: {  	vm5 =	vlt.f32 v5, $1.000000000e+02;
	vm6 =	vgt.f32 v7, $1.000000010e-01;
	vm7 =	vlt.f32 v6, $1.000000000e+02  }
0xb7: {  	vm4 =	vgt.f32 v8, $1.000000010e-01;
	vm8 =	vlt.f32 v7, $1.000000000e+02;
	v4 =	vmax.f32 v4, $9.999999970e-07  }
0xb8: {  	vm9 =	vgt.f32 v9, $1.000000010e-01;
	vm10 =	vlt.f32 v8, $1.000000000e+02;
	v5 =	vmax.f32 v5, $9.999999970e-07  }
0xb9: {  	vm11 =	vgt.f32 v10, $1.000000010e-01;
	vm12 =	vlt.f32 v9, $1.000000000e+02;
	v6 =	vmax.f32 v6, $9.999999970e-07  }
0xba: {  	v12 =	vmax.f32 v11, $9.999999970e-07;
	vm13 =	vlt.f32 v10, $1.000000000e+02;
	(erf) = vrcp.f32 v4  }
0xbb: {  	vm14 =	vgt.f32 v11, $1.000000010e-01;
	vm15 =	vlt.f32 v11, $1.000000000e+02;
	(erf) = vrcp.f32 v12  }
0xbc: {  	v10 =	vmax.f32 v10, $9.999999970e-07;
	v11 =	vld [tilespmem:s31+$0x2060];
	v8 =	vmax.f32 v8, $9.999999970e-07;
	(erf) = vrcp.f32 v5  }
0xbd: {  	v4 =	vmax.f32 v7, $9.999999970e-07;
	v7 =	vld [tilespmem:s31+$0x2070];
	vm1 =	vmand vm1, vm5;
	(erf) = vrcp.f32 v10  }
0xbe: {  	vm0 =	vmand vm0, vm3;
	v5 =	vmax.f32 v9, $9.999999970e-07;
	v10 =	vld [tilespmem:s31+$0x2000];
	(erf) = vrcp.f32 v6  }
0xbf: {  	vm3 =	vmand vm6, vm8;
	vm2 =	vmand vm2, vm7;
	v9 =	vld [tilespmem:s31+$0x2050];
	(erf) = vrcp.f32 v5  }
0xc0: {  	vm12 =	vmand vm9, vm12;
	vm4 =	vmand vm4, vm10;
	v5 =	vld [tilespmem:s31+$0x2010];
	(erf) = vrcp.f32 v4  }
0xc1: {  	vm14 =	vmand vm14, vm15;
	vm15 =	vmand vm11, vm13;
	v4 =	vld [tilespmem:s31+$0x2030];
	(erf) = vrcp.f32 v8  }
0xc2: {  	v56 =	vnsel vm3, $0x0, v2;
	v13 =	vnsel vm2, $0x0, v2;
	v14 =	vnsel vm4, $0x0, v2;
	v8 =	vld [tilespmem:s31+$0x2020]  }
0xc3: {  	v16 =	vnsel vm12, $0x0, v2;
	v19 =	vnsel vm14, $0x0, v2;
	v10 =	vnsel vm14, $0x0, v10;
	v15 =	vpop (erf)  }
0xc4: {  	v59 =	vnsel vm15, $0x0, v2;
	v6 =	vld [tilespmem:s31+$0x2040];
	v11 =	vnsel vm1, $0x0, v11;
	v10 =	vmul.f32 v10, v1;
	v17 =	vpop (erf)  }
0xc5: {  	v7 =	vnsel vm0, $0x0, v7;
	v5 =	vnsel vm15, $0x0, v5;
	v17 =	vnsel vm14, $0x0, v17;
	v18 =	vpop (erf)  }
0xc6: {  	v9 =	vnsel vm2, $0x0, v9;
	v5 =	vmul.f32 v5, v1;
	v10 =	vsub.f32 v17, v10;
	v57 =	vpop (erf)  }
0xc7: {  	v4 =	vnsel vm4, $0x0, v4;
	v8 =	vnsel vm12, $0x0, v8;
	v17 =	vnsel vm15, $0x0, v57;
	v20 =	vpop (erf)  }
0xc8: {  	v8 =	vmul.f32 v8, v1;
	v10 =	vsub.f32 v10, v19;
	v5 =	vsub.f32 v17, v5;
	v58 =	vpop (erf)  }
0xc9: {  	v6 =	vnsel vm3, $0x0, v6;
	v4 =	vmul.f32 v4, v1;
	v17 =	vnsel vm12, $0x0, v58;
	v21 =	vpop (erf)  }
0xca: {  	v10 =	vand.u32 $0x7FFFFFFF, v10;
	v5 =	vsub.f32 v5, v59;
	v8 =	vsub.f32 v17, v8;
	v60 =	vpop (erf)  }
0xcb: {  	v6 =	vmul.f32 v6, v1;
	v3 =	vadd.f32 v10, v3;
	v10 =	vnsel vm4, $0x0, v60  }
0xcc: {  	v5 =	vand.u32 $0x7FFFFFFF, v5;
	v8 =	vsub.f32 v8, v16;
	v4 =	vsub.f32 v10, v4  }
0xcd: {  	v9 =	vmul.f32 v9, v1;
	v3 =	vadd.f32 v5, v3;
	v5 =	vnsel vm3, $0x0, v21  }
0xce: {  	v8 =	vand.u32 $0x7FFFFFFF, v8;
	v4 =	vsub.f32 v4, v14;
	v5 =	vsub.f32 v5, v6  }
0xcf: {  	v6 =	vnsel vm2, $0x0, v20;
	v3 =	vadd.f32 v8, v3;
	v8 =	vmul.f32 v11, v1  }
0xd0: {  	s16 =	simm.s32 $0x80;
	v6 =	vsub.f32 v6, v9;
	v10 =	vand.u32 $0x7FFFFFFF, v4;
	v5 =	vsub.f32 v5, v56  }
0xd1: {  	v9 =	vnsel vm1, $0x0, v18;
	v4 =	vld [tilespmem:s16+$0x70];
	v3 =	vadd.f32 v10, v3;
	v10 =	vmul.f32 v7, v1  }
0xd2: {  	v7 =	vld [tilespmem:s16+$0x60];
	v6 =	vsub.f32 v6, v13;
	v9 =	vsub.f32 v9, v8;
	v5 =	vand.u32 $0x7FFFFFFF, v5  }
0xd3: {  	v61 =	vnsel vm0, $0x0, v15;
	v8 =	vld [tilespmem:s16+$0x50];
	v11 =	vadd.f32 v5, v3;
	v3 =	vnsel vm1, $0x0, v2  }
0xd4: {  	v5 =	vld [tilespmem:s16+$0x40];
	v6 =	vand.u32 $0x7FFFFFFF, v6;
	v10 =	vsub.f32 v61, v10;
	v9 =	vsub.f32 v9, v3  }
0xd5: {  	v62 =	vnsel vm0, $0x0, v2;
	v3 =	vld [tilespmem:s16+$0x30];
	v11 =	vadd.f32 v6, v11  }
0xd6: {  	v6 =	vld [tilespmem:s16+$0x20];
	vm0 =	vgt.f32 v4, $1.000000010e-01;
	v10 =	vsub.f32 v10, v62;
	v63 =	vand.u32 $0x7FFFFFFF, v9  }
0xd7: {  	s17 =	simm.s32 $0x400;
	vm2 =	vlt.f32 v4, $1.000000000e+02;
	v9 =	vld [tilespmem:s16+$0x10];
	vm1 =	vgt.f32 v7, $1.000000010e-01;
	v11 =	vadd.f32 v63, v11  }
.LBB2_5:
0xd8: {  	p0 =	sne.s32 s17, $0x7E00;
	v12 =	vld [tilespmem:s16+$0x0];
	vm4 =	vgt.f32 v8, $1.000000010e-01;
	vm8 =	vlt.f32 v7, $1.000000000e+02;
	v10 =	vand.u32 $0x7FFFFFFF, v10  }
0xd9: {  	vm5 =	vlt.f32 v8, $1.000000000e+02;
	vm3 =	vgt.f32 v5, $1.000000010e-01;
	v10 =	vadd.f32 v10, v11  }
0xda: {  	v4 =	vmax.f32 v4, $9.999999970e-07;
	vm11 =	vlt.f32 v5, $1.000000000e+02;
	vm6 =	vgt.f32 v3, $1.000000010e-01  }
0xdb: {  	v7 =	vmax.f32 v7, $9.999999970e-07;
	vm10 =	vlt.f32 v3, $1.000000000e+02;
	vm9 =	vgt.f32 v6, $1.000000010e-01  }
0xdc: {  	v8 =	vmax.f32 v8, $9.999999970e-07;
	vm13 =	vlt.f32 v6, $1.000000000e+02;
	vm7 =	vgt.f32 v9, $1.000000010e-01  }
0xdd: {  	vm12 =	vlt.f32 v9, $1.000000000e+02;
	v11 =	vmax.f32 v12, $9.999999970e-07;
	(erf) = vrcp.f32 v4  }
0xde: {  	vm14 =	vgt.f32 v12, $1.000000010e-01;
	v4 =	vmax.f32 v5, $9.999999970e-07;
	v5 =	vld [tilespmem:s16+$0x2070];
	(erf) = vrcp.f32 v11  }
0xdf: {  	v9 =	vmax.f32 v9, $9.999999970e-07;
	vm15 =	vlt.f32 v12, $1.000000000e+02;
	v11 =	vld [tilespmem:s16+$0x2060];
	(erf) = vrcp.f32 v7  }
0xe0: {  	v3 =	vmax.f32 v3, $9.999999970e-07;
	v6 =	vmax.f32 v6, $9.999999970e-07;
	v7 =	vld [tilespmem:s16+$0x2050];
	(erf) = vrcp.f32 v9  }
0xe1: {  	vm0 =	vmand vm0, vm2;
	vm1 =	vmand vm1, vm8;
	v9 =	vld [tilespmem:s16+$0x2000];
	(erf) = vrcp.f32 v8  }
0xe2: {  	vm2 =	vmand vm4, vm5;
	vm3 =	vmand vm3, vm11;
	v8 =	vld [tilespmem:s16+$0x2040];
	(erf) = vrcp.f32 v6  }
0xe3: {  	vm4 =	vmand vm6, vm10;
	vm5 =	vmand vm9, vm13;
	v6 =	vld [tilespmem:s16+$0x2010];
	(erf) = vrcp.f32 v4  }
0xe4: {  	vm6 =	vmand vm7, vm12;
	vm8 =	vmand vm14, vm15;
	v4 =	vld [tilespmem:s16+$0x2030];
	(erf) = vrcp.f32 v3  }
0xe5: {  	v13 =	vnsel vm2, $0x0, v2;
	v12 =	vnsel vm3, $0x0, v2;
	v5 =	vnsel vm0, $0x0, v5;
	v3 =	vld [tilespmem:s16+$0x2020]  }
0xe6: {  	v14 =	vnsel vm4, $0x0, v2;
	v11 =	vnsel vm1, $0x0, v11;
	v9 =	vnsel vm8, $0x0, v9;
	v15 =	vpop (erf)  }
0xe7: {  	v16 =	vnsel vm5, $0x0, v2;
	v7 =	vnsel vm2, $0x0, v7;
	v9 =	vmul.f32 v9, v1;
	v17 =	vpop (erf)  }
0xe8: {  	v8 =	vnsel vm3, $0x0, v8;
	v19 =	vnsel vm8, $0x0, v17;
	v6 =	vnsel vm6, $0x0, v6;
	v18 =	vpop (erf)  }
0xe9: {  	v9 =	vsub.f32 v19, v9;
	v6 =	vmul.f32 v6, v1;
	v4 =	vnsel vm4, $0x0, v4;
	v17 =	vpop (erf)  }
0xea: {  	v19 =	vnsel vm8, $0x0, v2;
	v23 =	vnsel vm6, $0x0, v17;
	v3 =	vnsel vm5, $0x0, v3;
	v20 =	vpop (erf)  }
0xeb: {  	v9 =	vsub.f32 v9, v19;
	v6 =	vsub.f32 v23, v6;
	v3 =	vmul.f32 v3, v1;
	v17 =	vpop (erf)  }
0xec: {  	v4 =	vmul.f32 v4, v1;
	v19 =	vnsel vm6, $0x0, v2;
	v22 =	vnsel vm5, $0x0, v17;
	v21 =	vpop (erf)  }
0xed: {  	v9 =	vand.u32 $0x7FFFFFFF, v9;
	v6 =	vsub.f32 v6, v19;
	v3 =	vsub.f32 v22, v3;
	v17 =	vpop (erf)  }
0xee: {  	v8 =	vmul.f32 v8, v1;
	v9 =	vadd.f32 v9, v10;
	v10 =	vnsel vm4, $0x0, v17  }
0xef: {  	v6 =	vand.u32 $0x7FFFFFFF, v6;
	v3 =	vsub.f32 v3, v16;
	v4 =	vsub.f32 v10, v4  }
0xf0: {  	v7 =	vmul.f32 v7, v1;
	v6 =	vadd.f32 v6, v9;
	v9 =	vnsel vm3, $0x0, v21  }
0xf1: {  	v3 =	vand.u32 $0x7FFFFFFF, v3;
	v4 =	vsub.f32 v4, v14;
	v8 =	vsub.f32 v9, v8  }
0xf2: {  	v9 =	vmul.f32 v11, v1;
	v3 =	vadd.f32 v3, v6;
	v6 =	vnsel vm2, $0x0, v20  }
0xf3: {  	s16 =	sshra.s32 s17, $0x2;
	v10 =	vand.u32 $0x7FFFFFFF, v4;
	v8 =	vsub.f32 v8, v12;
	v6 =	vsub.f32 v6, v7  }
0xf4: {  	v11 =	vmul.f32 v5, v1;
	v4 =	vld [tilespmem:s16+$0x70];
	v3 =	vadd.f32 v10, v3;
	v10 =	vnsel vm1, $0x0, v18  }
0xf5: {  	v7 =	vld [tilespmem:s16+$0x60];
	v5 =	vand.u32 $0x7FFFFFFF, v8;
	v6 =	vsub.f32 v6, v13;
	v9 =	vsub.f32 v10, v9  }
.Ltmp1:
0xf6: {  	v12 =	vnsel vm0, $0x0, v15;
	v8 =	vld [tilespmem:s16+$0x50];
	v10 =	vadd.f32 v5, v3;
	v3 =	vnsel vm1, $0x0, v2;
	(pc) =	sbr.rel @p0 .LBB2_5-.Ltmp1, $4  }
0xf7: {  	v11 =	vsub.f32 v12, v11;
	v5 =	vld [tilespmem:s16+$0x40];
	v6 =	vand.u32 $0x7FFFFFFF, v6;
	v9 =	vsub.f32 v9, v3  }
0xf8: {  	v3 =	vld [tilespmem:s16+$0x30];
	v12 =	vadd.f32 v6, v10;
	v10 =	vnsel vm0, $0x0, v2  }
0xf9: {  	v6 =	vld [tilespmem:s16+$0x20];
	vm0 =	vgt.f32 v4, $1.000000010e-01;
	v13 =	vand.u32 $0x7FFFFFFF, v9;
	v10 =	vsub.f32 v11, v10  }
0xfa: {  	s17 =	sadd.s32 $0x200, s17;
	vm2 =	vlt.f32 v4, $1.000000000e+02;
	v9 =	vld [tilespmem:s16+$0x10];
	vm1 =	vgt.f32 v7, $1.000000010e-01;
	v11 =	vadd.f32 v13, v12  }
0xfb: {  	v12 =	vld [tilespmem:s16+$0x0];
	vm4 =	vgt.f32 v8, $1.000000010e-01;
	vm3 =	vlt.f32 v7, $1.000000000e+02;
	v10 =	vand.u32 $0x7FFFFFFF, v10  }
0xfc: {  	vm7 =	vlt.f32 v8, $1.000000000e+02;
	v4 =	vmax.f32 v4, $9.999999970e-07;
	v41 =	vmax.f32 v7, $9.999999970e-07  }
0xfd: {  	v42 =	vmax.f32 v8, $9.999999970e-07;
	vm0 =	vmand vm0, vm2;
	vm5 =	vgt.f32 v5, $1.000000010e-01  }
0xfe: {  	v10 =	vadd.f32 v10, v11;
	vm8 =	vlt.f32 v5, $1.000000000e+02;
	(erf) = vrcp.f32 v4  }
0xff: {  	v4 =	vmax.f32 v5, $9.999999970e-07;
	vm1 =	vmand vm1, vm3;
	vm2 =	vmand vm4, vm7  }
0x100: {  	vm6 =	vgt.f32 v3, $1.000000010e-01;
	vm10 =	vlt.f32 v3, $1.000000000e+02;
	v43 =	vmax.f32 v12, $9.999999970e-07  }
0x101: {  	v45 =	vld [tilespmem:s16+$0x2060];
	v3 =	vmax.f32 v3, $9.999999970e-07;
	vm3 =	vmand vm5, vm8;
	(erf) = vrcp.f32 v43  }
0x102: {  	v47 =	vld [tilespmem:s16+$0x2050];
	v13 =	vnsel vm2, $0x0, v2;
	v44 =	vmax.f32 v9, $9.999999970e-07;
	(erf) = vrcp.f32 v41  }
0x103: {  	v48 =	vld [tilespmem:s16+$0x2000];
	vm9 =	vgt.f32 v6, $1.000000010e-01;
	vm12 =	vlt.f32 v6, $1.000000000e+02;
	(erf) = vrcp.f32 v44  }
0x104: {  	v49 =	vld [tilespmem:s16+$0x2040];
	v46 =	vmax.f32 v6, $9.999999970e-07;
	v51 =	vnsel vm3, $0x0, v2;
	(erf) = vrcp.f32 v42  }
0x105: {  	v50 =	vld [tilespmem:s16+$0x2010];
	vm11 =	vgt.f32 v9, $1.000000010e-01;
	vm13 =	vlt.f32 v9, $1.000000000e+02;
	(erf) = vrcp.f32 v46  }
0x106: {  	v5 =	vld [tilespmem:s16+$0x2070];
	vm9 =	vmand vm9, vm12;
	vm12 =	vmand vm6, vm10;
	(erf) = vrcp.f32 v4  }
0x107: {  	vm14 =	vgt.f32 v12, $1.000000010e-01;
	vm15 =	vlt.f32 v12, $1.000000000e+02;
	v4 =	vld [tilespmem:s16+$0x2030];
	(erf) = vrcp.f32 v3  }
0x108: {  	v14 =	vnsel vm12, $0x0, v2;
	v11 =	vnsel vm1, $0x0, v45;
	vm14 =	vmand vm14, vm15;
	v3 =	vld [tilespmem:s16+$0x2020]  }
0x109: {  	v16 =	vnsel vm9, $0x0, v2;
	v7 =	vnsel vm2, $0x0, v47;
	v9 =	vnsel vm14, $0x0, v48;
	v15 =	vpop (erf)  }
0x10a: {  	v8 =	vnsel vm3, $0x0, v49;
	vm15 =	vmand vm11, vm13;
	v9 =	vmul.f32 v9, v1;
	v17 =	vpop (erf)  }
0x10b: {  	v5 =	vnsel vm0, $0x0, v5;
	v6 =	vnsel vm15, $0x0, v50;
	v17 =	vnsel vm14, $0x0, v17;
	v18 =	vpop (erf)  }
0x10c: {  	v19 =	vnsel vm14, $0x0, v2;
	v6 =	vmul.f32 v6, v1;
	v9 =	vsub.f32 v17, v9;
	v52 =	vpop (erf)  }
0x10d: {  	v4 =	vnsel vm12, $0x0, v4;
	v3 =	vnsel vm9, $0x0, v3;
	v17 =	vnsel vm15, $0x0, v52;
	v20 =	vpop (erf)  }
0x10e: {  	v3 =	vmul.f32 v3, v1;
	v9 =	vsub.f32 v9, v19;
	v6 =	vsub.f32 v17, v6;
	v53 =	vpop (erf)  }
0x10f: {  	v54 =	vnsel vm15, $0x0, v2;
	v4 =	vmul.f32 v4, v1;
	v17 =	vnsel vm9, $0x0, v53;
	v21 =	vpop (erf)  }
0x110: {  	v9 =	vand.u32 $0x7FFFFFFF, v9;
	v6 =	vsub.f32 v6, v54;
	v3 =	vsub.f32 v17, v3;
	v55 =	vpop (erf)  }
0x111: {  	v8 =	vmul.f32 v8, v1;
	v9 =	vadd.f32 v9, v10;
	v56 =	vnsel vm12, $0x0, v55  }
0x112: {  	v6 =	vand.u32 $0x7FFFFFFF, v6;
	v3 =	vsub.f32 v3, v16;
	v4 =	vsub.f32 v56, v4  }
0x113: {  	v7 =	vmul.f32 v7, v1;
	v57 =	vnsel vm3, $0x0, v21;
	v6 =	vadd.f32 v6, v9  }
0x114: {  	v8 =	vsub.f32 v57, v8;
	v3 =	vand.u32 $0x7FFFFFFF, v3;
	v4 =	vsub.f32 v4, v14  }
0x115: {  	v59 =	vmul.f32 v11, v1;
	v58 =	vnsel vm2, $0x0, v20;
	v3 =	vadd.f32 v3, v6  }
0x116: {  	v8 =	vsub.f32 v8, v51;
	v6 =	vsub.f32 v58, v7;
	v4 =	vand.u32 $0x7FFFFFFF, v4  }
0x117: {  	v5 =	vmul.f32 v5, v1;
	v3 =	vadd.f32 v4, v3;
	v4 =	vnsel vm1, $0x0, v18  }
0x118: {  	v60 =	vand.u32 $0x7FFFFFFF, v8;
	v6 =	vsub.f32 v6, v13;
	v4 =	vsub.f32 v4, v59  }
0x119: {  	s15 =	sadd.s32 $0x1, s15;
	v61 =	vnsel vm1, $0x0, v2;
	v62 =	vnsel vm0, $0x0, v15;
	v3 =	vadd.f32 v60, v3  }
0x11a: {  	p0 =	sne.s32 s15, $0x8;
	v5 =	vsub.f32 v62, v5;
	v6 =	vand.u32 $0x7FFFFFFF, v6;
	v4 =	vsub.f32 v4, v61  }
.Ltmp2:
0x11b: {  	v63 =	vnsel vm0, $0x0, v2;
	v3 =	vadd.f32 v6, v3;
	(pc) =	sbr.rel @p0 .LBB2_4-.Ltmp2, $4  }
0x11c: {  	v5 =	vsub.f32 v5, v63;
	v4 =	vand.u32 $0x7FFFFFFF, v4  }
0x11d: {  	v3 =	vadd.f32 v4, v3  }
0x11e: {  	v4 =	vand.u32 $0x7FFFFFFF, v5  }
0x11f: {  	v3 =	vadd.f32 v4, v3  }
0x120: {  	_ = 	snop  }
0x121: {  	v0 =	vmul.f32 v3, v0;
	_ =	sdelay $0x1  }
0x122: {  	s0 =	rddreg [dreg:$0x3];
	s1 =	simm.s32 $0x4A00;
	[tilespmem:$0x4A00] =	vst v0  }
0x123: {  	[hbm4b:s0+s7] =	stream.linear.scatter [tilespmem:s1], [sflag:$0x1], $0x10, $0x38;
	[tilespmem:$0x4A80] =	vst v63  }
0x124: {  	_ =	swait.ge [sflag:s10], $0x10  }
0x125: {  	s30 =	rddreg [dreg:$0x5]  }
0x126: {  	s31 =	rddreg [dreg:$0x4];
	s1 =	sadd.s32 $0x1, s30  }
0x127: {  	p0 =	sne.s32 s1, s31  }
.Ltmp3:
0x128: {  	_ = 	snop;
	(pc) =	sbr.rel @p0 .LBB2_1-.Ltmp3, $3  }
0x129: {  	_ =	sdelay $0x1  }
0x12a: {  	[sflag:s10] =	ssyncset.done $0x0  }
0x12b: {  	[sflag:s10] =	ssyncadd.s32 $0xFFFFFFF0  }
0x12c: {  	_ =	sfence.sel $0x180000  }
0x12d: {  	[bflag:$0x0] =	sbarrier.arrive $0xFFFF  }
0x12e: {  	_ =	strace $0x9000004A  }
0x12f: {  	s0 =	stileid.u32;
	[bflag:$0x2] =	sbarrier.arrive $0xFFFF  }
0x130: {  	p0 =	sne.s32 s0, $0x0;
	s0 =	rddreg [dreg:$0x1]  }
0x131: {  	s0 =	sadd.s32 @!p0 $0x100000, s0  }
0x132: {  	[sflag:s0] =	ssyncadd.tile.s32 @!p0 $0x1;
	_ =	shalt  }
.Lfunc_end2:
_tile_overlayer_lowered:
.L_overlay_start_2:
0x133: {  	(tag) =	ssettag $0x2  }
0x134: {  	s0 =	rddreg [dreg:$0x0];
	s2 =	stileid.u32  }
0x135: {  	s1 =	rddreg [dreg:$0x1];
	p0 =	sne.s32 s2, $0x0  }
0x136: {  	s3 =	rddreg [dreg:$0x2];
	[bflag:$0x3] =	sbarrier.arrive $0xFFFF;
	s2 =	simm.s32 @!p0 $0x1C01  }
0x137: {  	[timem:s3], [sflag:s2] =	dma.local @!p0 [hbm:s0], s1  }
0x138: {  	s0 =	simm.s32 @!p0 $0x1  }
0x139: {  	_ =	swait.ge @!p0 [sflag:s0], s1  }
0x13a: {  	s1 =	ssub.s32 @!p0 $0x0, s1;
	[sflag:s0] =	ssyncset.done @!p0 $0x0  }
0x13b: {  	[sflag:s0] =	ssyncadd.s32 @!p0 s1  }
0x13c: {  	[bflag:$0x3] =	sbarrier.arrive $0xFFFF  }
0x13d: {  	_ =	shalt  }

</sc_bundles>
